<compile_context>
chip_gen: v7x
topology: tpu7x:2x2x1
jax: 0.10.2.dev20260603
libtpu: 0.0.44.dev20260713+nightly
codegen_flags: <defaults>
</compile_context>

<pallas_src>
import functools

import jax
import jax.numpy as jnp
from jax import lax
from jax.experimental import pallas as pl
from jax.experimental.pallas import tpu as pltpu
from jax.experimental.pallas import tpu_sc as plsc

N = 10000
E = 320000
D = 128
T = 12

NC = 2
NS = 16
NW = NC * NS

EB = 80
EPT_DEG = E // NW
GB = 50
BPT = E // (NS * EB)
ACC_ROWS = N
RPT = N // NS
CPC = T // NC

BN = 400
GRID = N // BN



def _deg_body(dst_hbm, out_hbm, acc_v, idx_v):
    c = lax.axis_index("c")
    s = lax.axis_index("s")
    wid = c * NS + s
    zero16 = jnp.zeros((16,), jnp.float32)
    ones16 = jnp.ones((16,), jnp.float32)

    def zero_step(i, carry):
        acc_v[pl.ds(i * 16, 16)] = zero16
        return carry

    lax.fori_loop(0, N // 16, zero_step, 0)

    pltpu.sync_copy(dst_hbm.at[pl.ds(wid * EPT_DEG, EPT_DEG)], idx_v)

    def step(i, carry):
        idx = idx_v[pl.ds(i * 16, 16)]
        plsc.addupdate_scatter(acc_v, [idx], ones16)
        return carry

    lax.fori_loop(0, EPT_DEG // 16, step, 0)
    pltpu.sync_copy(acc_v, out_hbm.at[wid])


def _deg_partials(dst):
    return pl.kernel(
        _deg_body,
        out_type=jax.ShapeDtypeStruct((NW, N), jnp.float32),
        mesh=plsc.VectorSubcoreMesh(
            core_axis_name="c", subcore_axis_name="s",
            num_cores=NC, num_subcores=NS),
        scratch_types=[
            pltpu.VMEM((N,), jnp.float32),
            pltpu.VMEM((EPT_DEG,), jnp.int32),
        ],
        compiler_params=pltpu.CompilerParams(
            needs_layout_passes=False, use_tc_tiling_on_sc=False),
    )(dst)



def _prescale_body(xt_ref, degp_ref, xp_ref):
    deg = jnp.sum(degp_ref[...], axis=1, keepdims=True) + 1.0
    dinv = lax.rsqrt(deg)
    xp_ref[...] = xt_ref[...] * dinv[None, :, :]


def _prescale(xt, degt):
    return pl.pallas_call(
        _prescale_body,
        grid=(GRID,),
        in_specs=[
            pl.BlockSpec((T, BN, D), lambda i: (0, i, 0)),
            pl.BlockSpec((BN, NW), lambda i: (i, 0)),
        ],
        out_specs=pl.BlockSpec((T, BN, D), lambda i: (0, i, 0)),
        out_shape=jax.ShapeDtypeStruct((T, N, D), jnp.float32),
    )(xt, degt)



def _spmm_body(xp_hbm, src2d_hbm, dst2d_hbm, zeros_hbm, out_hbm, acc_sh,
               rows2, src_grp, dst_grp, g0, g1):
    c = lax.axis_index("c")
    s = lax.axis_index("s")
    gsem = (g0, g1)

    def chunk_step(j, carry):
        t = c * CPC + j
        toff = (t * N).astype(jnp.int32)

        def stage_group(gi):
            slot = gi % 2
            grow = s * BPT + gi * GB
            pltpu.sync_copy(src2d_hbm.at[pl.ds(grow, GB)], src_grp.at[slot])
            pltpu.sync_copy(dst2d_hbm.at[pl.ds(grow, GB)], dst_grp.at[slot])

            def shift(r, carry2):
                for k in range(EB // 16):
                    src_grp[slot, r, pl.ds(k * 16, 16)] = (
                        src_grp[slot, r, pl.ds(k * 16, 16)] + toff)
                return carry2

            lax.fori_loop(0, GB, shift, 0)

        def gather(par, b):
            slot = (b // GB) % 2
            grow = b % GB
            pltpu.async_copy(xp_hbm.at[src_grp.at[slot, grow]],
                             rows2.at[par], gsem[par])

        def consume(par, b):
            slot = (b // GB) % 2
            grow = b % GB
            pltpu.make_async_copy(xp_hbm.at[src_grp.at[0, 0]],
                                  rows2.at[par], gsem[par]).wait()
            pltpu.sync_copy(rows2.at[par], acc_sh.at[dst_grp.at[slot, grow]],
                            add=True)

        pltpu.sync_copy(zeros_hbm, acc_sh.at[pl.ds(s * RPT, RPT)])
        plsc.subcore_barrier()

        stage_group(0)
        gather(0, 0)

        def pair_step(i, carry2):
            b = 2 * i
            gather(1, b + 1)
            consume(0, b)

            @pl.when((lax.rem(b + 2, GB) == 0) & (b + 2 < BPT))
            def _():
                stage_group((b + 2) // GB)

            @pl.when(b + 2 < BPT)
            def _():
                gather(0, b + 2)

            consume(1, b + 1)
            return carry2

        lax.fori_loop(0, BPT // 2, pair_step, 0)
        plsc.subcore_barrier()
        pltpu.sync_copy(
            acc_sh.at[pl.ds(s * RPT, RPT)],
            out_hbm.at[pl.ds(t * N + s * RPT, RPT)])
        return carry

    lax.fori_loop(0, CPC, chunk_step, 0)


def _spmm(xp_flat, src2d, dst2d, zeros):
    return pl.kernel(
        _spmm_body,
        out_type=jax.ShapeDtypeStruct((T * N, D), jnp.float32),
        mesh=plsc.VectorSubcoreMesh(
            core_axis_name="c", subcore_axis_name="s",
            num_cores=NC, num_subcores=NS),
        scratch_types=[
            pltpu.VMEM_SHARED((ACC_ROWS, D), jnp.float32),
            pltpu.VMEM((2, EB, D), jnp.float32),
            pltpu.VMEM((2, GB, EB), jnp.int32),
            pltpu.VMEM((2, GB, EB), jnp.int32),
            pltpu.SemaphoreType.DMA,
            pltpu.SemaphoreType.DMA,
        ],
        compiler_params=pltpu.CompilerParams(
            needs_layout_passes=False, use_tc_tiling_on_sc=False),
    )(xp_flat, src2d, dst2d, zeros)



def _dense_body(s_ref, xp_ref, degp_ref, wz_ref, lz_ref, wh_ref, lh_ref,
                bz_ref, lzb_ref, bh_ref, lhb_ref, att_ref, wo_ref, bo_ref,
                out_ref):
    deg = jnp.sum(degp_ref[...], axis=1, keepdims=True) + 1.0
    dinv = lax.rsqrt(deg)

    att = att_ref[...]
    m = jnp.max(att, axis=1, keepdims=True)
    ea = jnp.exp(att - m)
    p = ea / jnp.sum(ea, axis=1, keepdims=True)

    wz = wz_ref[...]
    lz = lz_ref[...]
    wh = wh_ref[...]
    lh = lh_ref[...]
    bz = bz_ref[...]
    lzb = lzb_ref[...]
    bh = bh_ref[...]
    lhb = lhb_ref[...]

    acc = jnp.zeros((BN, D), jnp.float32)
    for t in range(T):
        ax = dinv * (s_ref[t] + xp_ref[t])
        gz = jnp.dot(ax, wz, preferred_element_type=jnp.float32) + bz
        gz = jnp.dot(gz, lz, preferred_element_type=jnp.float32) + lzb
        gh = jnp.dot(ax, wh, preferred_element_type=jnp.float32) + bh
        gh = jnp.dot(gh, lh, preferred_element_type=jnp.float32) + lhb
        h = (1.0 - jax.nn.sigmoid(gz)) * jnp.tanh(gh)
        acc = acc + p[0, t] * h

    out_ref[...] = (jnp.dot(jax.nn.relu(acc), wo_ref[...],
                            preferred_element_type=jnp.float32) + bo_ref[...])


def _dense(s3, xp, degt, wz, lz, wh, lh, bz, lzb, bh, lhb, att2, wo, bo):
    def full(shape):
        nd = len(shape)
        return pl.BlockSpec(shape, lambda i, _nd=nd: (0,) * _nd)
    return pl.pallas_call(
        _dense_body,
        grid=(GRID,),
        in_specs=[
            pl.BlockSpec((T, BN, D), lambda i: (0, i, 0)),
            pl.BlockSpec((T, BN, D), lambda i: (0, i, 0)),
            pl.BlockSpec((BN, NW), lambda i: (i, 0)),
            full((D, D)), full((D, D)), full((D, D)), full((D, D)),
            full((1, D)), full((1, D)), full((1, D)), full((1, D)),
            full((1, T)), full((D, T)), full((1, T)),
        ],
        out_specs=pl.BlockSpec((BN, T), lambda i: (i, 0)),
        out_shape=jax.ShapeDtypeStruct((N, T), jnp.float32),
    )(s3, xp, degt, wz, lz, wh, lh, bz, lzb, bh, lhb, att2, wo, bo)



def kernel(x_1, edge_index_1, x_2, edge_index_2, W_z, b_z, W_r, b_r, W_h, b_h,
           lin_z_W, lin_z_b, lin_r_W, lin_r_b, lin_h_W, lin_h_b, att, W_out,
           b_out):
    src = edge_index_1[0]
    dst = edge_index_1[1]

    xt = jnp.transpose(x_1, (2, 0, 1))
    src2d = src.reshape(E // EB, EB)
    dst2d = dst.reshape(E // EB, EB)

    degp = _deg_partials(dst)
    degt = jnp.transpose(degp)

    xp = _prescale(xt, degt)
    zeros = jnp.zeros((RPT, D), jnp.float32)
    s_flat = _spmm(xp.reshape(T * N, D), src2d, dst2d, zeros)
    s3 = s_flat.reshape(T, N, D)

    return _dense(
        s3, xp, degt,
        W_z, lin_z_W[:D], W_h, lin_h_W[:D],
        b_z.reshape(1, D), lin_z_b.reshape(1, D),
        b_h.reshape(1, D), lin_h_b.reshape(1, D),
        att.reshape(1, T), W_out, b_out.reshape(1, T))

# --- scband reference (transcript-rebuilt; emitter-appended) ---
"""Pipeline reference for scband-temporal-gnn-vanilla-23811298689803 (READ-ONLY COPY).

The authoritative reference and input builder live on the scoring server;
editing this copy changes nothing except your own understanding.
"""

import jax, jax.numpy as jnp
import numpy as np

N = 10000
E = 320000
D_IN = 128
D_OUT = 128
T = 12

def setup_inputs(seed: int = 0):
    key = jax.random.key(seed)
    ks = jax.random.split(key, 24)
    s = 0.05
    inp = {}
    inp["x_1"] = jax.random.normal(ks[0], (N, D_IN, T), dtype=jnp.float32)
    inp["edge_index_1"] = jax.random.randint(ks[1], (2, E), 0, N, dtype=jnp.int32)
    inp["x_2"] = jax.random.normal(ks[2], (N, D_IN, T), dtype=jnp.float32)
    inp["edge_index_2"] = jax.random.randint(ks[3], (2, E), 0, N, dtype=jnp.int32)
    inp["W_z"] = jax.random.normal(ks[4], (D_IN, D_OUT), dtype=jnp.float32) * s
    inp["b_z"] = jnp.zeros((D_OUT,), dtype=jnp.float32)
    inp["W_r"] = jax.random.normal(ks[5], (D_IN, D_OUT), dtype=jnp.float32) * s
    inp["b_r"] = jnp.zeros((D_OUT,), dtype=jnp.float32)
    inp["W_h"] = jax.random.normal(ks[6], (D_IN, D_OUT), dtype=jnp.float32) * s
    inp["b_h"] = jnp.zeros((D_OUT,), dtype=jnp.float32)
    inp["lin_z_W"] = jax.random.normal(ks[7], (2 * D_OUT, D_OUT), dtype=jnp.float32) * s
    inp["lin_z_b"] = jnp.zeros((D_OUT,), dtype=jnp.float32)
    inp["lin_r_W"] = jax.random.normal(ks[8], (2 * D_OUT, D_OUT), dtype=jnp.float32) * s
    inp["lin_r_b"] = jnp.zeros((D_OUT,), dtype=jnp.float32)
    inp["lin_h_W"] = jax.random.normal(ks[9], (2 * D_OUT, D_OUT), dtype=jnp.float32) * s
    inp["lin_h_b"] = jnp.zeros((D_OUT,), dtype=jnp.float32)
    inp["att"] = jax.random.uniform(ks[10], (T,), dtype=jnp.float32)
    inp["W_out"] = jax.random.normal(ks[11], (D_OUT, T), dtype=jnp.float32) * s
    inp["b_out"] = jnp.zeros((T,), dtype=jnp.float32)
    return inp

def _gcn_conv(x, W, b, src, dst, n):
    # GCNConv with add_self_loops=True and symmetric normalization (PyG gcn_norm)
    xw = x @ W
    loop = jnp.arange(n, dtype=src.dtype)
    s2 = jnp.concatenate([src, loop])
    d2 = jnp.concatenate([dst, loop])
    w = jnp.ones((s2.shape[0],), dtype=x.dtype)
    deg = jax.ops.segment_sum(w, d2, num_segments=n)
    dinv = jnp.where(deg > 0, 1.0 / jnp.sqrt(deg), 0.0)
    norm = dinv[s2] * dinv[d2]
    msg = xw[s2] * norm[:, None]
    return jax.ops.segment_sum(msg, d2, num_segments=n) + b

def _tgcn_cell(X, src, dst, n, W_z, b_z, W_r, b_r, W_h, b_h, lin_z_W, lin_z_b, lin_r_W, lin_r_b, lin_h_W, lin_h_b, H):
    Z = jax.nn.sigmoid(jnp.concatenate([_gcn_conv(X, W_z, b_z, src, dst, n), H], axis=1) @ lin_z_W + lin_z_b)
    R = jax.nn.sigmoid(jnp.concatenate([_gcn_conv(X, W_r, b_r, src, dst, n), H], axis=1) @ lin_r_W + lin_r_b)
    H_tilde = jnp.tanh(jnp.concatenate([_gcn_conv(X, W_h, b_h, src, dst, n), H * R], axis=1) @ lin_h_W + lin_h_b)
    return Z * H + (1.0 - Z) * H_tilde

def reference(x_1, edge_index_1, x_2, edge_index_2, W_z, b_z, W_r, b_r, W_h, b_h, lin_z_W, lin_z_b, lin_r_W, lin_r_b, lin_h_W, lin_h_b, att, W_out, b_out):
    # A3TGCN: attention-weighted sum of per-period TGCN outputs (H stays None -> zeros),
    # then ReLU and final Linear(out_channels -> t). x_2/edge_index_2 unused by forward.
    n = x_1.shape[0]
    src = edge_index_1[0]
    dst = edge_index_1[1]
    probs = jax.nn.softmax(att)
    H0 = jnp.zeros((n, D_OUT), dtype=x_1.dtype)
    H_accum = jnp.zeros((n, D_OUT), dtype=x_1.dtype)
    for t in range(T):
        H = _tgcn_cell(x_1[:, :, t], src, dst, n, W_z, b_z, W_r, b_r, W_h, b_h, lin_z_W, lin_z_b, lin_r_W, lin_r_b, lin_h_W, lin_h_b, H0)
        H_accum = H_accum + probs[t] * H
    h = jax.nn.relu(H_accum)
    return h @ W_out + b_out

if __name__ == "__main__":
    import jax
    _d = setup_inputs()
    print(jax.jit(kernel)(*tuple(_d.values())))

</pallas_src>

<mosaic_0001>
#map = affine_map<(d0, d1) -> (0)>
#map1 = affine_map<(d0, d1) -> (0, 0)>
module attributes {stable_mosaic.version = 14 : i64} {
  func.func @_deg_body(%arg0: i32, %arg1: i32, %arg2: memref<320000xi32, #tpu.memory_space<hbm>>, %arg3: memref<32x10000xf32, #tpu.memory_space<hbm>>, %arg4: memref<10000xf32, #tpu.memory_space<vmem>>, %arg5: memref<10000xi32, #tpu.memory_space<vmem>>) attributes {dimension_semantics = [#tpu.dimension_semantics<core_parallel>, #tpu.dimension_semantics<subcore_parallel>], iteration_bounds = array<i64: 2, 16>, scalar_prefetch = 0 : i64, scratch_operands = 2 : i64, tpu.core_type = #tpu.core_type<sc_vector_subcore>, window_params = [{transform_indices = #map}, {transform_indices = #map1}]} {
    %mul3A = arith.constant 16 : i32
    %mul3A_0 = arith.muli %arg0, %mul3A : i32
    %add3A = arith.addi %mul3A_0, %arg1 : i32
    %broadcast_in_dim3A = arith.constant 0.000000e+00 : f32
    %broadcast_in_dim3A_1 = vector.broadcast %broadcast_in_dim3A : f32 to vector<16xf32>
    %broadcast_in_dim3A_2 = arith.constant 1.000000e+00 : f32
    %broadcast_in_dim3A_3 = vector.broadcast %broadcast_in_dim3A_2 : f32 to vector<16xf32>
    %scan3A = arith.constant 0 : i32
    %scan3A_4 = arith.constant 0 : i32
    %scan3A_5 = arith.constant 625 : i32
    %scan3A_6 = arith.addi %scan3A_4, %scan3A_5 : i32
    %scan3A_7 = arith.constant 1 : i32
    scf.for %scan3A_17 = %scan3A_4 to %scan3A_6 step %scan3A_7  : i32 {
      %mul3A_18 = arith.constant 16 : i32
      %mul3A_19 = arith.muli %scan3A_17, %mul3A_18 : i32
      %swap3A = arith.index_cast %mul3A_19 : i32 to index
      %swap3A_20 = tpu.vector_load %arg4[%swap3A] {strides = array<i32>} : memref<10000xf32, #tpu.memory_space<vmem>>, vector<16xf32>,
      tpu.vector_store %arg4[%swap3A], %broadcast_in_dim3A_1 {strides = array<i32>} : memref<10000xf32, #tpu.memory_space<vmem>>, vector<16xf32>,
    }
    %scan3A_8 = arith.constant 625 : i32
    %mul3A_9 = arith.constant 10000 : i32
    %mul3A_10 = arith.muli %add3A, %mul3A_9 : i32
    "tpu.region"() ({
      %run_scoped3A = tpu.sem_alloc : memref<!tpu.dma_semaphore, #tpu.memory_space<semaphore_mem>>
      %dma_start3A = tpu.memref_slice %arg2[%mul3A_10] : memref<320000xi32, #tpu.memory_space<hbm>> -> memref<10000xi32, #tpu.memory_space<hbm>>
      %dma_start3A_17 = tpu.memref_slice %arg2[%mul3A_10] : memref<320000xi32, #tpu.memory_space<hbm>> -> memref<10000xi32, #tpu.memory_space<hbm>>
      tpu.enqueue_dma source(%dma_start3A_17 : memref<10000xi32, #tpu.memory_space<hbm>>) target(%arg5 : memref<10000xi32, #tpu.memory_space<vmem>>) target_semaphore(%run_scoped3A : memref<!tpu.dma_semaphore, #tpu.memory_space<semaphore_mem>>)
      %dma_wait3A = tpu.memref_slice %arg2[%mul3A_10] : memref<320000xi32, #tpu.memory_space<hbm>> -> memref<10000xi32, #tpu.memory_space<hbm>>
      %dma_wait3A_18 = tpu.memref_slice %arg2[%mul3A_10] : memref<320000xi32, #tpu.memory_space<hbm>> -> memref<10000xi32, #tpu.memory_space<hbm>>
      tpu.wait_dma2 semaphore(%run_scoped3A : memref<!tpu.dma_semaphore, #tpu.memory_space<semaphore_mem>>) src(%dma_wait3A_18 : memref<10000xi32, #tpu.memory_space<hbm>>) dst(%arg5 : memref<10000xi32, #tpu.memory_space<vmem>>)
      tpu.yield
    }) : () -> ()
    %scan3A_11 = arith.constant 0 : i32
    %scan3A_12 = arith.constant 0 : i32
    %scan3A_13 = arith.constant 625 : i32
    %scan3A_14 = arith.addi %scan3A_12, %scan3A_13 : i32
    %scan3A_15 = arith.constant 1 : i32
    scf.for %scan3A_17 = %scan3A_12 to %scan3A_14 step %scan3A_15  : i32 {
      %mul3A_18 = arith.constant 16 : i32
      %mul3A_19 = arith.muli %scan3A_17, %mul3A_18 : i32
      %get3A = arith.index_cast %mul3A_19 : i32 to index
      %get3A_20 = tpu.vector_load %arg5[%get3A] {strides = array<i32>} : memref<10000xi32, #tpu.memory_space<vmem>>, vector<16xi32>,
      tpu.vector_store_idx %arg4[%get3A_20], %broadcast_in_dim3A_3 {add = true} : memref<10000xf32, #tpu.memory_space<vmem>>[vector<16xi32>], vector<16xf32>,
    }
    %scan3A_16 = arith.constant 625 : i32
    "tpu.region"() ({
      %run_scoped3A = tpu.sem_alloc : memref<!tpu.dma_semaphore, #tpu.memory_space<semaphore_mem>>
      %dma_start3A = arith.constant 0 : i32
      %dma_start3A_17 = tpu.memref_slice %arg3[%add3A, %dma_start3A] : memref<32x10000xf32, #tpu.memory_space<hbm>> -> memref<1x10000xf32, #tpu.memory_space<hbm>>
      %dma_start3A_18 = tpu.memref_squeeze %dma_start3A_17 : memref<1x10000xf32, #tpu.memory_space<hbm>> -> memref<10000xf32, #tpu.memory_space<hbm>>
      %dma_start3A_19 = arith.constant 0 : i32
      %dma_start3A_20 = tpu.memref_slice %arg3[%add3A, %dma_start3A_19] : memref<32x10000xf32, #tpu.memory_space<hbm>> -> memref<1x10000xf32, #tpu.memory_space<hbm>>
      %dma_start3A_21 = tpu.memref_squeeze %dma_start3A_20 : memref<1x10000xf32, #tpu.memory_space<hbm>> -> memref<10000xf32, #tpu.memory_space<hbm>>
      tpu.enqueue_dma source(%arg4 : memref<10000xf32, #tpu.memory_space<vmem>>) target(%dma_start3A_21 : memref<10000xf32, #tpu.memory_space<hbm>>) target_semaphore(%run_scoped3A : memref<!tpu.dma_semaphore, #tpu.memory_space<semaphore_mem>>)
      %dma_wait3A = arith.constant 0 : i32
      %dma_wait3A_22 = tpu.memref_slice %arg3[%add3A, %dma_wait3A] : memref<32x10000xf32, #tpu.memory_space<hbm>> -> memref<1x10000xf32, #tpu.memory_space<hbm>>
      %dma_wait3A_23 = tpu.memref_squeeze %dma_wait3A_22 : memref<1x10000xf32, #tpu.memory_space<hbm>> -> memref<10000xf32, #tpu.memory_space<hbm>>
      %dma_wait3A_24 = arith.constant 0 : i32
      %dma_wait3A_25 = tpu.memref_slice %arg3[%add3A, %dma_wait3A_24] : memref<32x10000xf32, #tpu.memory_space<hbm>> -> memref<1x10000xf32, #tpu.memory_space<hbm>>
      %dma_wait3A_26 = tpu.memref_squeeze %dma_wait3A_25 : memref<1x10000xf32, #tpu.memory_space<hbm>> -> memref<10000xf32, #tpu.memory_space<hbm>>
      tpu.wait_dma2 semaphore(%run_scoped3A : memref<!tpu.dma_semaphore, #tpu.memory_space<semaphore_mem>>) src(%arg4 : memref<10000xf32, #tpu.memory_space<vmem>>) dst(%dma_wait3A_26 : memref<10000xf32, #tpu.memory_space<hbm>>)
      tpu.yield
    }) : () -> ()
    return
  }
}

#map = affine_map<(d0, d1) -> (0, 0)>
module attributes {stable_mosaic.version = 14 : i64} {
  func.func @_spmm_body(%arg0: i32, %arg1: i32, %arg2: memref<120000x128xf32, #tpu.memory_space<hbm>>, %arg3: memref<4000x80xi32, #tpu.memory_space<hbm>>, %arg4: memref<4000x80xi32, #tpu.memory_space<hbm>>, %arg5: memref<625x128xf32, #tpu.memory_space<hbm>>, %arg6: memref<120000x128xf32, #tpu.memory_space<hbm>>, %arg7: memref<10000x128xf32, #tpu.memory_space<vmem_shared>>, %arg8: memref<2x80x128xf32, #tpu.memory_space<vmem>>, %arg9: memref<2x50x80xi32, #tpu.memory_space<vmem>>, %arg10: memref<2x50x80xi32, #tpu.memory_space<vmem>>, %arg11: memref<!tpu.dma_semaphore, #tpu.memory_space<semaphore_mem>>, %arg12: memref<!tpu.dma_semaphore, #tpu.memory_space<semaphore_mem>>) attributes {dimension_semantics = [#tpu.dimension_semantics<core_parallel>, #tpu.dimension_semantics<subcore_parallel>], iteration_bounds = array<i64: 2, 16>, scalar_prefetch = 0 : i64, scratch_operands = 6 : i64, tpu.core_type = #tpu.core_type<sc_vector_subcore>, window_params = [{transform_indices = #map}, {transform_indices = #map}, {transform_indices = #map}, {transform_indices = #map}, {transform_indices = #map}]} {
    %scan3A = arith.constant 0 : i32
    %scan3A_0 = arith.constant 0 : i32
    %scan3A_1 = arith.constant 6 : i32
    %scan3A_2 = arith.addi %scan3A_0, %scan3A_1 : i32
    %scan3A_3 = arith.constant 1 : i32
    scf.for %scan3A_5 = %scan3A_0 to %scan3A_2 step %scan3A_3  : i32 {
      %mul3A = arith.constant 6 : i32
      %mul3A_6 = arith.muli %arg0, %mul3A : i32
      %add3A = arith.addi %mul3A_6, %scan3A_5 : i32
      %mul3A_7 = arith.constant 10000 : i32
      %mul3A_8 = arith.muli %add3A, %mul3A_7 : i32
      %mul3A_9 = arith.constant 625 : i32
      %mul3A_10 = arith.muli %arg1, %mul3A_9 : i32
      "tpu.region"() ({
        %run_scoped3A_48 = tpu.sem_alloc : memref<!tpu.dma_semaphore, #tpu.memory_space<semaphore_mem>>
        %dma_start3A_49 = arith.constant 0 : i32
        %dma_start3A_50 = tpu.memref_slice %arg7[%mul3A_10, %dma_start3A_49] : memref<10000x128xf32, #tpu.memory_space<vmem_shared>> -> memref<625x128xf32, #tpu.memory_space<vmem_shared>>
        tpu.enqueue_dma source(%arg5 : memref<625x128xf32, #tpu.memory_space<hbm>>) target(%dma_start3A_50 : memref<625x128xf32, #tpu.memory_space<vmem_shared>>) target_semaphore(%run_scoped3A_48 : memref<!tpu.dma_semaphore, #tpu.memory_space<semaphore_mem>>)
        %dma_wait3A = arith.constant 0 : i32
        %dma_wait3A_51 = tpu.memref_slice %arg7[%mul3A_10, %dma_wait3A] : memref<10000x128xf32, #tpu.memory_space<vmem_shared>> -> memref<625x128xf32, #tpu.memory_space<vmem_shared>>
        tpu.wait_dma2 semaphore(%run_scoped3A_48 : memref<!tpu.dma_semaphore, #tpu.memory_space<semaphore_mem>>) src(%arg5 : memref<625x128xf32, #tpu.memory_space<hbm>>) dst(%dma_wait3A_51 : memref<625x128xf32, #tpu.memory_space<vmem_shared>>)
        tpu.yield
      }) : () -> ()
      %barrier3A = arith.constant 0 : index
      tpu.barrier barrier_id(%barrier3A)
      %mul3A_11 = arith.constant 250 : i32
      %mul3A_12 = arith.muli %arg1, %mul3A_11 : i32
      %add3A_13 = arith.constant 0 : i32
      %add3A_14 = arith.addi %mul3A_12, %add3A_13 : i32
      %run_scoped3A = arith.constant 0 : i32
      "tpu.region"() ({
        %run_scoped3A_48 = tpu.sem_alloc : memref<!tpu.dma_semaphore, #tpu.memory_space<semaphore_mem>>
        %dma_start3A_49 = arith.constant 0 : i32
        %dma_start3A_50 = arith.constant 0 : i32
        %dma_start3A_51 = tpu.memref_slice %arg9[%run_scoped3A, %dma_start3A_49, %dma_start3A_50] : memref<2x50x80xi32, #tpu.memory_space<vmem>> -> memref<1x50x80xi32, #tpu.memory_space<vmem>>
        %dma_start3A_52 = tpu.memref_squeeze %dma_start3A_51 : memref<1x50x80xi32, #tpu.memory_space<vmem>> -> memref<50x80xi32, #tpu.memory_space<vmem>>
        %dma_start3A_53 = arith.constant 0 : i32
        %dma_start3A_54 = tpu.memref_slice %arg3[%add3A_14, %dma_start3A_53] : memref<4000x80xi32, #tpu.memory_space<hbm>> -> memref<50x80xi32, #tpu.memory_space<hbm>>
        %dma_start3A_55 = arith.constant 0 : i32
        %dma_start3A_56 = arith.constant 0 : i32
        %dma_start3A_57 = tpu.memref_slice %arg9[%run_scoped3A, %dma_start3A_55, %dma_start3A_56] : memref<2x50x80xi32, #tpu.memory_space<vmem>> -> memref<1x50x80xi32, #tpu.memory_space<vmem>>
        %dma_start3A_58 = tpu.memref_squeeze %dma_start3A_57 : memref<1x50x80xi32, #tpu.memory_space<vmem>> -> memref<50x80xi32, #tpu.memory_space<vmem>>
        %dma_start3A_59 = arith.constant 0 : i32
        %dma_start3A_60 = tpu.memref_slice %arg3[%add3A_14, %dma_start3A_59] : memref<4000x80xi32, #tpu.memory_space<hbm>> -> memref<50x80xi32, #tpu.memory_space<hbm>>
        tpu.enqueue_dma source(%dma_start3A_60 : memref<50x80xi32, #tpu.memory_space<hbm>>) target(%dma_start3A_58 : memref<50x80xi32, #tpu.memory_space<vmem>>) target_semaphore(%run_scoped3A_48 : memref<!tpu.dma_semaphore, #tpu.memory_space<semaphore_mem>>)
        %dma_wait3A = arith.constant 0 : i32
        %dma_wait3A_61 = arith.constant 0 : i32
        %dma_wait3A_62 = tpu.memref_slice %arg9[%run_scoped3A, %dma_wait3A, %dma_wait3A_61] : memref<2x50x80xi32, #tpu.memory_space<vmem>> -> memref<1x50x80xi32, #tpu.memory_space<vmem>>
        %dma_wait3A_63 = tpu.memref_squeeze %dma_wait3A_62 : memref<1x50x80xi32, #tpu.memory_space<vmem>> -> memref<50x80xi32, #tpu.memory_space<vmem>>
        %dma_wait3A_64 = arith.constant 0 : i32
        %dma_wait3A_65 = tpu.memref_slice %arg3[%add3A_14, %dma_wait3A_64] : memref<4000x80xi32, #tpu.memory_space<hbm>> -> memref<50x80xi32, #tpu.memory_space<hbm>>
        %dma_wait3A_66 = arith.constant 0 : i32
        %dma_wait3A_67 = arith.constant 0 : i32
        %dma_wait3A_68 = tpu.memref_slice %arg9[%run_scoped3A, %dma_wait3A_66, %dma_wait3A_67] : memref<2x50x80xi32, #tpu.memory_space<vmem>> -> memref<1x50x80xi32, #tpu.memory_space<vmem>>
        %dma_wait3A_69 = tpu.memref_squeeze %dma_wait3A_68 : memref<1x50x80xi32, #tpu.memory_space<vmem>> -> memref<50x80xi32, #tpu.memory_space<vmem>>
        %dma_wait3A_70 = arith.constant 0 : i32
        %dma_wait3A_71 = tpu.memref_slice %arg3[%add3A_14, %dma_wait3A_70] : memref<4000x80xi32, #tpu.memory_space<hbm>> -> memref<50x80xi32, #tpu.memory_space<hbm>>
        tpu.wait_dma2 semaphore(%run_scoped3A_48 : memref<!tpu.dma_semaphore, #tpu.memory_space<semaphore_mem>>) src(%dma_wait3A_71 : memref<50x80xi32, #tpu.memory_space<hbm>>) dst(%dma_wait3A_69 : memref<50x80xi32, #tpu.memory_space<vmem>>)
        tpu.yield
      }) : () -> ()
      %run_scoped3A_15 = arith.constant 0 : i32
      "tpu.region"() ({
        %run_scoped3A_48 = tpu.sem_alloc : memref<!tpu.dma_semaphore, #tpu.memory_space<semaphore_mem>>
        %dma_start3A_49 = arith.constant 0 : i32
        %dma_start3A_50 = arith.constant 0 : i32
        %dma_start3A_51 = tpu.memref_slice %arg10[%run_scoped3A_15, %dma_start3A_49, %dma_start3A_50] : memref<2x50x80xi32, #tpu.memory_space<vmem>> -> memref<1x50x80xi32, #tpu.memory_space<vmem>>
        %dma_start3A_52 = tpu.memref_squeeze %dma_start3A_51 : memref<1x50x80xi32, #tpu.memory_space<vmem>> -> memref<50x80xi32, #tpu.memory_space<vmem>>
        %dma_start3A_53 = arith.constant 0 : i32
        %dma_start3A_54 = tpu.memref_slice %arg4[%add3A_14, %dma_start3A_53] : memref<4000x80xi32, #tpu.memory_space<hbm>> -> memref<50x80xi32, #tpu.memory_space<hbm>>
        %dma_start3A_55 = arith.constant 0 : i32
        %dma_start3A_56 = arith.constant 0 : i32
        %dma_start3A_57 = tpu.memref_slice %arg10[%run_scoped3A_15, %dma_start3A_55, %dma_start3A_56] : memref<2x50x80xi32, #tpu.memory_space<vmem>> -> memref<1x50x80xi32, #tpu.memory_space<vmem>>
        %dma_start3A_58 = tpu.memref_squeeze %dma_start3A_57 : memref<1x50x80xi32, #tpu.memory_space<vmem>> -> memref<50x80xi32, #tpu.memory_space<vmem>>
        %dma_start3A_59 = arith.constant 0 : i32
        %dma_start3A_60 = tpu.memref_slice %arg4[%add3A_14, %dma_start3A_59] : memref<4000x80xi32, #tpu.memory_space<hbm>> -> memref<50x80xi32, #tpu.memory_space<hbm>>
        tpu.enqueue_dma source(%dma_start3A_60 : memref<50x80xi32, #tpu.memory_space<hbm>>) target(%dma_start3A_58 : memref<50x80xi32, #tpu.memory_space<vmem>>) target_semaphore(%run_scoped3A_48 : memref<!tpu.dma_semaphore, #tpu.memory_space<semaphore_mem>>)
        %dma_wait3A = arith.constant 0 : i32
        %dma_wait3A_61 = arith.constant 0 : i32
        %dma_wait3A_62 = tpu.memref_slice %arg10[%run_scoped3A_15, %dma_wait3A, %dma_wait3A_61] : memref<2x50x80xi32, #tpu.memory_space<vmem>> -> memref<1x50x80xi32, #tpu.memory_space<vmem>>
        %dma_wait3A_63 = tpu.memref_squeeze %dma_wait3A_62 : memref<1x50x80xi32, #tpu.memory_space<vmem>> -> memref<50x80xi32, #tpu.memory_space<vmem>>
        %dma_wait3A_64 = arith.constant 0 : i32
        %dma_wait3A_65 = tpu.memref_slice %arg4[%add3A_14, %dma_wait3A_64] : memref<4000x80xi32, #tpu.memory_space<hbm>> -> memref<50x80xi32, #tpu.memory_space<hbm>>
        %dma_wait3A_66 = arith.constant 0 : i32
        %dma_wait3A_67 = arith.constant 0 : i32
        %dma_wait3A_68 = tpu.memref_slice %arg10[%run_scoped3A_15, %dma_wait3A_66, %dma_wait3A_67] : memref<2x50x80xi32, #tpu.memory_space<vmem>> -> memref<1x50x80xi32, #tpu.memory_space<vmem>>
        %dma_wait3A_69 = tpu.memref_squeeze %dma_wait3A_68 : memref<1x50x80xi32, #tpu.memory_space<vmem>> -> memref<50x80xi32, #tpu.memory_space<vmem>>
        %dma_wait3A_70 = arith.constant 0 : i32
        %dma_wait3A_71 = tpu.memref_slice %arg4[%add3A_14, %dma_wait3A_70] : memref<4000x80xi32, #tpu.memory_space<hbm>> -> memref<50x80xi32, #tpu.memory_space<hbm>>
        tpu.wait_dma2 semaphore(%run_scoped3A_48 : memref<!tpu.dma_semaphore, #tpu.memory_space<semaphore_mem>>) src(%dma_wait3A_71 : memref<50x80xi32, #tpu.memory_space<hbm>>) dst(%dma_wait3A_69 : memref<50x80xi32, #tpu.memory_space<vmem>>)
        tpu.yield
      }) : () -> ()
      %scan3A_16 = arith.constant 0 : i32
      %scan3A_17 = arith.constant 0 : i32
      %scan3A_18 = arith.constant 50 : i32
      %scan3A_19 = arith.addi %scan3A_17, %scan3A_18 : i32
      %scan3A_20 = arith.constant 1 : i32
      scf.for %scan3A_48 = %scan3A_17 to %scan3A_19 step %scan3A_20  : i32 {
        %get3A = arith.constant 0 : i32
        %get3A_49 = arith.index_cast %get3A : i32 to index
        %get3A_50 = arith.index_cast %scan3A_48 : i32 to index
        %get3A_51 = arith.constant 0 : index
        %get3A_52 = tpu.vector_load %arg9[%get3A_49, %get3A_50, %get3A_51] {strides = array<i32>} : memref<2x50x80xi32, #tpu.memory_space<vmem>>, vector<16xi32>,
        %add3A_53 = vector.broadcast %mul3A_8 : i32 to vector<16xi32>
        %add3A_54 = arith.addi %get3A_52, %add3A_53 : vector<16xi32>
        %swap3A = arith.constant 0 : i32
        %swap3A_55 = arith.index_cast %swap3A : i32 to index
        %swap3A_56 = arith.index_cast %scan3A_48 : i32 to index
        %swap3A_57 = arith.constant 0 : index
        %swap3A_58 = tpu.vector_load %arg9[%swap3A_55, %swap3A_56, %swap3A_57] {strides = array<i32>} : memref<2x50x80xi32, #tpu.memory_space<vmem>>, vector<16xi32>,
        tpu.vector_store %arg9[%swap3A_55, %swap3A_56, %swap3A_57], %add3A_54 {strides = array<i32>} : memref<2x50x80xi32, #tpu.memory_space<vmem>>, vector<16xi32>,
        %get3A_59 = arith.constant 0 : i32
        %get3A_60 = arith.index_cast %get3A_59 : i32 to index
        %get3A_61 = arith.index_cast %scan3A_48 : i32 to index
        %get3A_62 = arith.constant 16 : index
        %get3A_63 = tpu.vector_load %arg9[%get3A_60, %get3A_61, %get3A_62] {strides = array<i32>} : memref<2x50x80xi32, #tpu.memory_space<vmem>>, vector<16xi32>,
        %add3A_64 = vector.broadcast %mul3A_8 : i32 to vector<16xi32>
        %add3A_65 = arith.addi %get3A_63, %add3A_64 : vector<16xi32>
        %swap3A_66 = arith.constant 0 : i32
        %swap3A_67 = arith.index_cast %swap3A_66 : i32 to index
        %swap3A_68 = arith.index_cast %scan3A_48 : i32 to index
        %swap3A_69 = arith.constant 16 : index
        %swap3A_70 = tpu.vector_load %arg9[%swap3A_67, %swap3A_68, %swap3A_69] {strides = array<i32>} : memref<2x50x80xi32, #tpu.memory_space<vmem>>, vector<16xi32>,
        tpu.vector_store %arg9[%swap3A_67, %swap3A_68, %swap3A_69], %add3A_65 {strides = array<i32>} : memref<2x50x80xi32, #tpu.memory_space<vmem>>, vector<16xi32>,
        %get3A_71 = arith.constant 0 : i32
        %get3A_72 = arith.index_cast %get3A_71 : i32 to index
        %get3A_73 = arith.index_cast %scan3A_48 : i32 to index
        %get3A_74 = arith.constant 32 : index
        %get3A_75 = tpu.vector_load %arg9[%get3A_72, %get3A_73, %get3A_74] {strides = array<i32>} : memref<2x50x80xi32, #tpu.memory_space<vmem>>, vector<16xi32>,
        %add3A_76 = vector.broadcast %mul3A_8 : i32 to vector<16xi32>
        %add3A_77 = arith.addi %get3A_75, %add3A_76 : vector<16xi32>
        %swap3A_78 = arith.constant 0 : i32
        %swap3A_79 = arith.index_cast %swap3A_78 : i32 to index
        %swap3A_80 = arith.index_cast %scan3A_48 : i32 to index
        %swap3A_81 = arith.constant 32 : index
        %swap3A_82 = tpu.vector_load %arg9[%swap3A_79, %swap3A_80, %swap3A_81] {strides = array<i32>} : memref<2x50x80xi32, #tpu.memory_space<vmem>>, vector<16xi32>,
        tpu.vector_store %arg9[%swap3A_79, %swap3A_80, %swap3A_81], %add3A_77 {strides = array<i32>} : memref<2x50x80xi32, #tpu.memory_space<vmem>>, vector<16xi32>,
        %get3A_83 = arith.constant 0 : i32
        %get3A_84 = arith.index_cast %get3A_83 : i32 to index
        %get3A_85 = arith.index_cast %scan3A_48 : i32 to index
        %get3A_86 = arith.constant 48 : index
        %get3A_87 = tpu.vector_load %arg9[%get3A_84, %get3A_85, %get3A_86] {strides = array<i32>} : memref<2x50x80xi32, #tpu.memory_space<vmem>>, vector<16xi32>,
        %add3A_88 = vector.broadcast %mul3A_8 : i32 to vector<16xi32>
        %add3A_89 = arith.addi %get3A_87, %add3A_88 : vector<16xi32>
        %swap3A_90 = arith.constant 0 : i32
        %swap3A_91 = arith.index_cast %swap3A_90 : i32 to index
        %swap3A_92 = arith.index_cast %scan3A_48 : i32 to index
        %swap3A_93 = arith.constant 48 : index
        %swap3A_94 = tpu.vector_load %arg9[%swap3A_91, %swap3A_92, %swap3A_93] {strides = array<i32>} : memref<2x50x80xi32, #tpu.memory_space<vmem>>, vector<16xi32>,
        tpu.vector_store %arg9[%swap3A_91, %swap3A_92, %swap3A_93], %add3A_89 {strides = array<i32>} : memref<2x50x80xi32, #tpu.memory_space<vmem>>, vector<16xi32>,
        %get3A_95 = arith.constant 0 : i32
        %get3A_96 = arith.index_cast %get3A_95 : i32 to index
        %get3A_97 = arith.index_cast %scan3A_48 : i32 to index
        %get3A_98 = arith.constant 64 : index
        %get3A_99 = tpu.vector_load %arg9[%get3A_96, %get3A_97, %get3A_98] {strides = array<i32>} : memref<2x50x80xi32, #tpu.memory_space<vmem>>, vector<16xi32>,
        %add3A_100 = vector.broadcast %mul3A_8 : i32 to vector<16xi32>
        %add3A_101 = arith.addi %get3A_99, %add3A_100 : vector<16xi32>
        %swap3A_102 = arith.constant 0 : i32
        %swap3A_103 = arith.index_cast %swap3A_102 : i32 to index
        %swap3A_104 = arith.index_cast %scan3A_48 : i32 to index
        %swap3A_105 = arith.constant 64 : index
        %swap3A_106 = tpu.vector_load %arg9[%swap3A_103, %swap3A_104, %swap3A_105] {strides = array<i32>} : memref<2x50x80xi32, #tpu.memory_space<vmem>>, vector<16xi32>,
        tpu.vector_store %arg9[%swap3A_103, %swap3A_104, %swap3A_105], %add3A_101 {strides = array<i32>} : memref<2x50x80xi32, #tpu.memory_space<vmem>>, vector<16xi32>,
      }
      %scan3A_21 = arith.constant 50 : i32
      %dma_start3A = arith.constant 0 : i32
      %dma_start3A_22 = arith.constant 0 : i32
      %dma_start3A_23 = arith.constant 0 : i32
      %dma_start3A_24 = arith.constant 0 : i32
      %dma_start3A_25 = arith.constant 0 : i32
      %dma_start3A_26 = tpu.memref_slice %arg8[%dma_start3A_23, %dma_start3A_24, %dma_start3A_25] : memref<2x80x128xf32, #tpu.memory_space<vmem>> -> memref<1x80x128xf32, #tpu.memory_space<vmem>>
      %dma_start3A_27 = tpu.memref_squeeze %dma_start3A_26 : memref<1x80x128xf32, #tpu.memory_space<vmem>> -> memref<80x128xf32, #tpu.memory_space<vmem>>
      %dma_start3A_28 = arith.constant 0 : i32
      %dma_start3A_29 = tpu.memref_slice %arg9[%dma_start3A, %dma_start3A_22, %dma_start3A_28] : memref<2x50x80xi32, #tpu.memory_space<vmem>> -> memref<1x1x80xi32, #tpu.memory_space<vmem>>
      %dma_start3A_30 = tpu.memref_squeeze %dma_start3A_29 : memref<1x1x80xi32, #tpu.memory_space<vmem>> -> memref<80xi32, #tpu.memory_space<vmem>>
      %dma_start3A_31 = arith.constant 0 : i32
      %dma_start3A_32 = arith.constant 0 : i32
      %dma_start3A_33 = tpu.memref_slice %arg2[%dma_start3A_31, %dma_start3A_32] : memref<120000x128xf32, #tpu.memory_space<hbm>> -> memref<120000x128xf32, #tpu.memory_space<hbm>>
      tpu.enqueue_indirect_dma source(%dma_start3A_33 : memref<120000x128xf32, #tpu.memory_space<hbm>>) target(%dma_start3A_27 : memref<80x128xf32, #tpu.memory_space<vmem>>) offsets(%dma_start3A_30 : memref<80xi32, #tpu.memory_space<vmem>>) semaphore(%arg11 : memref<!tpu.dma_semaphore, #tpu.memory_space<semaphore_mem>>)
      %scan3A_34 = arith.constant 0 : i32
      %scan3A_35 = arith.constant 0 : i32
      %scan3A_36 = arith.constant 125 : i32
      %scan3A_37 = arith.addi %scan3A_35, %scan3A_36 : i32
      %scan3A_38 = arith.constant 1 : i32
      scf.for %scan3A_48 = %scan3A_35 to %scan3A_37 step %scan3A_38  : i32 {
        %mul3A_49 = arith.constant 2 : i32
        %mul3A_50 = arith.muli %mul3A_49, %scan3A_48 : i32
        %add3A_51 = arith.constant 1 : i32
        %add3A_52 = arith.addi %mul3A_50, %add3A_51 : i32
        %jit3A = arith.constant 50 : i32
        %div3A = arith.divsi %add3A_52, %jit3A : i32
        %sign3A = arith.constant 0 : i32
        %sign3A_53 = arith.cmpi sgt, %add3A_52, %sign3A : i32
        %sign3A_54 = arith.extui %sign3A_53 : i1 to i32
        %sign3A_55 = arith.constant 0 : i32
        %sign3A_56 = arith.cmpi slt, %add3A_52, %sign3A_55 : i32
        %sign3A_57 = arith.extui %sign3A_56 : i1 to i32
        %sign3A_58 = arith.subi %sign3A_54, %sign3A_57 : i32
        %sign3A_59 = arith.constant 0 : i32
        %sign3A_60 = arith.cmpi sgt, %jit3A, %sign3A_59 : i32
        %sign3A_61 = arith.extui %sign3A_60 : i1 to i32
        %sign3A_62 = arith.constant 0 : i32
        %sign3A_63 = arith.cmpi slt, %jit3A, %sign3A_62 : i32
        %sign3A_64 = arith.extui %sign3A_63 : i1 to i32
        %sign3A_65 = arith.subi %sign3A_61, %sign3A_64 : i32
        %ne3A = arith.cmpi ne, %sign3A_58, %sign3A_65 : i32
        %rem3A = arith.remsi %add3A_52, %jit3A : i32
        %ne3A_66 = arith.constant 0 : i32
        %ne3A_67 = arith.cmpi ne, %rem3A, %ne3A_66 : i32
        %and3A = arith.andi %ne3A, %ne3A_67 : i1
        %sub3A = arith.constant 1 : i32
        %sub3A_68 = arith.subi %div3A, %sub3A : i32
        %select_n3A = arith.select %and3A, %sub3A_68, %div3A : i32
        %jit3A_69 = arith.constant 2 : i32
        %eq3A = arith.constant 0 : i32
        %eq3A_70 = arith.cmpi eq, %jit3A_69, %eq3A : i32
        %jit3A_71 = arith.constant 1 : i32
        %select_n3A_72 = arith.select %eq3A_70, %jit3A_71, %jit3A_69 : i32
        %rem3A_73 = arith.remsi %select_n3A, %select_n3A_72 : i32
        %ne3A_74 = arith.constant 0 : i32
        %ne3A_75 = arith.cmpi ne, %rem3A_73, %ne3A_74 : i32
        %lt3A = arith.constant 0 : i32
        %lt3A_76 = arith.cmpi slt, %rem3A_73, %lt3A : i32
        %lt3A_77 = arith.constant 0 : i32
        %lt3A_78 = arith.cmpi slt, %select_n3A_72, %lt3A_77 : i32
        %ne3A_79 = arith.xori %lt3A_76, %lt3A_78 : i1
        %and3A_80 = arith.andi %ne3A_79, %ne3A_75 : i1
        %add3A_81 = arith.addi %rem3A_73, %select_n3A_72 : i32
        %select_n3A_82 = arith.select %and3A_80, %add3A_81, %rem3A_73 : i32
        %jit3A_83 = arith.constant 50 : i32
        %eq3A_84 = arith.constant 0 : i32
        %eq3A_85 = arith.cmpi eq, %jit3A_83, %eq3A_84 : i32
        %jit3A_86 = arith.constant 1 : i32
        %select_n3A_87 = arith.select %eq3A_85, %jit3A_86, %jit3A_83 : i32
        %rem3A_88 = arith.remsi %add3A_52, %select_n3A_87 : i32
        %ne3A_89 = arith.constant 0 : i32
        %ne3A_90 = arith.cmpi ne, %rem3A_88, %ne3A_89 : i32
        %lt3A_91 = arith.constant 0 : i32
        %lt3A_92 = arith.cmpi slt, %rem3A_88, %lt3A_91 : i32
        %lt3A_93 = arith.constant 0 : i32
        %lt3A_94 = arith.cmpi slt, %select_n3A_87, %lt3A_93 : i32
        %ne3A_95 = arith.xori %lt3A_92, %lt3A_94 : i1
        %and3A_96 = arith.andi %ne3A_95, %ne3A_90 : i1
        %add3A_97 = arith.addi %rem3A_88, %select_n3A_87 : i32
        %select_n3A_98 = arith.select %and3A_96, %add3A_97, %rem3A_88 : i32
        %dma_start3A_99 = arith.constant 1 : i32
        %dma_start3A_100 = arith.constant 0 : i32
        %dma_start3A_101 = arith.constant 0 : i32
        %dma_start3A_102 = tpu.memref_slice %arg8[%dma_start3A_99, %dma_start3A_100, %dma_start3A_101] : memref<2x80x128xf32, #tpu.memory_space<vmem>> -> memref<1x80x128xf32, #tpu.memory_space<vmem>>
        %dma_start3A_103 = tpu.memref_squeeze %dma_start3A_102 : memref<1x80x128xf32, #tpu.memory_space<vmem>> -> memref<80x128xf32, #tpu.memory_space<vmem>>
        %dma_start3A_104 = arith.constant 0 : i32
        %dma_start3A_105 = tpu.memref_slice %arg9[%select_n3A_82, %select_n3A_98, %dma_start3A_104] : memref<2x50x80xi32, #tpu.memory_space<vmem>> -> memref<1x1x80xi32, #tpu.memory_space<vmem>>
        %dma_start3A_106 = tpu.memref_squeeze %dma_start3A_105 : memref<1x1x80xi32, #tpu.memory_space<vmem>> -> memref<80xi32, #tpu.memory_space<vmem>>
        %dma_start3A_107 = arith.constant 0 : i32
        %dma_start3A_108 = arith.constant 0 : i32
        %dma_start3A_109 = tpu.memref_slice %arg2[%dma_start3A_107, %dma_start3A_108] : memref<120000x128xf32, #tpu.memory_space<hbm>> -> memref<120000x128xf32, #tpu.memory_space<hbm>>
        tpu.enqueue_indirect_dma source(%dma_start3A_109 : memref<120000x128xf32, #tpu.memory_space<hbm>>) target(%dma_start3A_103 : memref<80x128xf32, #tpu.memory_space<vmem>>) offsets(%dma_start3A_106 : memref<80xi32, #tpu.memory_space<vmem>>) semaphore(%arg12 : memref<!tpu.dma_semaphore, #tpu.memory_space<semaphore_mem>>)
        %jit3A_110 = arith.constant 50 : i32
        %div3A_111 = arith.divsi %mul3A_50, %jit3A_110 : i32
        %sign3A_112 = arith.constant 0 : i32
        %sign3A_113 = arith.cmpi sgt, %mul3A_50, %sign3A_112 : i32
        %sign3A_114 = arith.extui %sign3A_113 : i1 to i32
        %sign3A_115 = arith.constant 0 : i32
        %sign3A_116 = arith.cmpi slt, %mul3A_50, %sign3A_115 : i32
        %sign3A_117 = arith.extui %sign3A_116 : i1 to i32
        %sign3A_118 = arith.subi %sign3A_114, %sign3A_117 : i32
        %sign3A_119 = arith.constant 0 : i32
        %sign3A_120 = arith.cmpi sgt, %jit3A_110, %sign3A_119 : i32
        %sign3A_121 = arith.extui %sign3A_120 : i1 to i32
        %sign3A_122 = arith.constant 0 : i32
        %sign3A_123 = arith.cmpi slt, %jit3A_110, %sign3A_122 : i32
        %sign3A_124 = arith.extui %sign3A_123 : i1 to i32
        %sign3A_125 = arith.subi %sign3A_121, %sign3A_124 : i32
        %ne3A_126 = arith.cmpi ne, %sign3A_118, %sign3A_125 : i32
        %rem3A_127 = arith.remsi %mul3A_50, %jit3A_110 : i32
        %ne3A_128 = arith.constant 0 : i32
        %ne3A_129 = arith.cmpi ne, %rem3A_127, %ne3A_128 : i32
        %and3A_130 = arith.andi %ne3A_126, %ne3A_129 : i1
        %sub3A_131 = arith.constant 1 : i32
        %sub3A_132 = arith.subi %div3A_111, %sub3A_131 : i32
        %select_n3A_133 = arith.select %and3A_130, %sub3A_132, %div3A_111 : i32
        %jit3A_134 = arith.constant 2 : i32
        %eq3A_135 = arith.constant 0 : i32
        %eq3A_136 = arith.cmpi eq, %jit3A_134, %eq3A_135 : i32
        %jit3A_137 = arith.constant 1 : i32
        %select_n3A_138 = arith.select %eq3A_136, %jit3A_137, %jit3A_134 : i32
        %rem3A_139 = arith.remsi %select_n3A_133, %select_n3A_138 : i32
        %ne3A_140 = arith.constant 0 : i32
        %ne3A_141 = arith.cmpi ne, %rem3A_139, %ne3A_140 : i32
        %lt3A_142 = arith.constant 0 : i32
        %lt3A_143 = arith.cmpi slt, %rem3A_139, %lt3A_142 : i32
        %lt3A_144 = arith.constant 0 : i32
        %lt3A_145 = arith.cmpi slt, %select_n3A_138, %lt3A_144 : i32
        %ne3A_146 = arith.xori %lt3A_143, %lt3A_145 : i1
        %and3A_147 = arith.andi %ne3A_146, %ne3A_141 : i1
        %add3A_148 = arith.addi %rem3A_139, %select_n3A_138 : i32
        %select_n3A_149 = arith.select %and3A_147, %add3A_148, %rem3A_139 : i32
        %jit3A_150 = arith.constant 50 : i32
        %eq3A_151 = arith.constant 0 : i32
        %eq3A_152 = arith.cmpi eq, %jit3A_150, %eq3A_151 : i32
        %jit3A_153 = arith.constant 1 : i32
        %select_n3A_154 = arith.select %eq3A_152, %jit3A_153, %jit3A_150 : i32
        %rem3A_155 = arith.remsi %mul3A_50, %select_n3A_154 : i32
        %ne3A_156 = arith.constant 0 : i32
        %ne3A_157 = arith.cmpi ne, %rem3A_155, %ne3A_156 : i32
        %lt3A_158 = arith.constant 0 : i32
        %lt3A_159 = arith.cmpi slt, %rem3A_155, %lt3A_158 : i32
        %lt3A_160 = arith.constant 0 : i32
        %lt3A_161 = arith.cmpi slt, %select_n3A_154, %lt3A_160 : i32
        %ne3A_162 = arith.xori %lt3A_159, %lt3A_161 : i1
        %and3A_163 = arith.andi %ne3A_162, %ne3A_157 : i1
        %add3A_164 = arith.addi %rem3A_155, %select_n3A_154 : i32
        %select_n3A_165 = arith.select %and3A_163, %add3A_164, %rem3A_155 : i32
        %dma_wait3A = arith.constant 0 : i32
        %dma_wait3A_166 = arith.constant 0 : i32
        %dma_wait3A_167 = arith.constant 0 : i32
        %dma_wait3A_168 = arith.constant 0 : i32
        %dma_wait3A_169 = arith.constant 0 : i32
        %dma_wait3A_170 = tpu.memref_slice %arg8[%dma_wait3A_167, %dma_wait3A_168, %dma_wait3A_169] : memref<2x80x128xf32, #tpu.memory_space<vmem>> -> memref<1x80x128xf32, #tpu.memory_space<vmem>>
        %dma_wait3A_171 = tpu.memref_squeeze %dma_wait3A_170 : memref<1x80x128xf32, #tpu.memory_space<vmem>> -> memref<80x128xf32, #tpu.memory_space<vmem>>
        %dma_wait3A_172 = arith.constant 0 : i32
        %dma_wait3A_173 = tpu.memref_slice %arg9[%dma_wait3A, %dma_wait3A_166, %dma_wait3A_172] : memref<2x50x80xi32, #tpu.memory_space<vmem>> -> memref<1x1x80xi32, #tpu.memory_space<vmem>>
        %dma_wait3A_174 = tpu.memref_squeeze %dma_wait3A_173 : memref<1x1x80xi32, #tpu.memory_space<vmem>> -> memref<80xi32, #tpu.memory_space<vmem>>
        %dma_wait3A_175 = arith.constant 0 : i32
        %dma_wait3A_176 = arith.constant 0 : i32
        %dma_wait3A_177 = tpu.memref_slice %arg2[%dma_wait3A_175, %dma_wait3A_176] : memref<120000x128xf32, #tpu.memory_space<hbm>> -> memref<120000x128xf32, #tpu.memory_space<hbm>>
        tpu.wait_indirect_dma semaphore(%arg11 : memref<!tpu.dma_semaphore, #tpu.memory_space<semaphore_mem>>) src(%dma_wait3A_177 : memref<120000x128xf32, #tpu.memory_space<hbm>>) dst(%dma_wait3A_171 : memref<80x128xf32, #tpu.memory_space<vmem>>)
        %run_scoped3A_178 = arith.constant 0 : i32
        "tpu.region"() ({
          %run_scoped3A_270 = tpu.sem_alloc : memref<!tpu.dma_semaphore, #tpu.memory_space<semaphore_mem>>
          %dma_start3A_271 = arith.constant 0 : i32
          %dma_start3A_272 = arith.constant 0 : i32
          %dma_start3A_273 = tpu.memref_slice %arg8[%run_scoped3A_178, %dma_start3A_271, %dma_start3A_272] : memref<2x80x128xf32, #tpu.memory_space<vmem>> -> memref<1x80x128xf32, #tpu.memory_space<vmem>>
          %dma_start3A_274 = tpu.memref_squeeze %dma_start3A_273 : memref<1x80x128xf32, #tpu.memory_space<vmem>> -> memref<80x128xf32, #tpu.memory_space<vmem>>
          %dma_start3A_275 = arith.constant 0 : i32
          %dma_start3A_276 = tpu.memref_slice %arg10[%select_n3A_149, %select_n3A_165, %dma_start3A_275] : memref<2x50x80xi32, #tpu.memory_space<vmem>> -> memref<1x1x80xi32, #tpu.memory_space<vmem>>
          %dma_start3A_277 = tpu.memref_squeeze %dma_start3A_276 : memref<1x1x80xi32, #tpu.memory_space<vmem>> -> memref<80xi32, #tpu.memory_space<vmem>>
          %dma_start3A_278 = arith.constant 0 : i32
          %dma_start3A_279 = arith.constant 0 : i32
          %dma_start3A_280 = tpu.memref_slice %arg7[%dma_start3A_278, %dma_start3A_279] : memref<10000x128xf32, #tpu.memory_space<vmem_shared>> -> memref<10000x128xf32, #tpu.memory_space<vmem_shared>>
          tpu.enqueue_indirect_dma source(%dma_start3A_274 : memref<80x128xf32, #tpu.memory_space<vmem>>) target(%dma_start3A_280 : memref<10000x128xf32, #tpu.memory_space<vmem_shared>>) offsets(%dma_start3A_277 : memref<80xi32, #tpu.memory_space<vmem>>) semaphore(%run_scoped3A_270 : memref<!tpu.dma_semaphore, #tpu.memory_space<semaphore_mem>>) {add = true}
          %dma_wait3A_281 = arith.constant 0 : i32
          %dma_wait3A_282 = arith.constant 0 : i32
          %dma_wait3A_283 = tpu.memref_slice %arg8[%run_scoped3A_178, %dma_wait3A_281, %dma_wait3A_282] : memref<2x80x128xf32, #tpu.memory_space<vmem>> -> memref<1x80x128xf32, #tpu.memory_space<vmem>>
          %dma_wait3A_284 = tpu.memref_squeeze %dma_wait3A_283 : memref<1x80x128xf32, #tpu.memory_space<vmem>> -> memref<80x128xf32, #tpu.memory_space<vmem>>
          %dma_wait3A_285 = arith.constant 0 : i32
          %dma_wait3A_286 = tpu.memref_slice %arg10[%select_n3A_149, %select_n3A_165, %dma_wait3A_285] : memref<2x50x80xi32, #tpu.memory_space<vmem>> -> memref<1x1x80xi32, #tpu.memory_space<vmem>>
          %dma_wait3A_287 = tpu.memref_squeeze %dma_wait3A_286 : memref<1x1x80xi32, #tpu.memory_space<vmem>> -> memref<80xi32, #tpu.memory_space<vmem>>
          %dma_wait3A_288 = arith.constant 0 : i32
          %dma_wait3A_289 = arith.constant 0 : i32
          %dma_wait3A_290 = tpu.memref_slice %arg7[%dma_wait3A_288, %dma_wait3A_289] : memref<10000x128xf32, #tpu.memory_space<vmem_shared>> -> memref<10000x128xf32, #tpu.memory_space<vmem_shared>>
          tpu.wait_indirect_dma semaphore(%run_scoped3A_270 : memref<!tpu.dma_semaphore, #tpu.memory_space<semaphore_mem>>) src(%dma_wait3A_284 : memref<80x128xf32, #tpu.memory_space<vmem>>) dst(%dma_wait3A_290 : memref<10000x128xf32, #tpu.memory_space<vmem_shared>>)
          tpu.yield
        }) : () -> ()
        %add3A_179 = arith.constant 2 : i32
        %add3A_180 = arith.addi %mul3A_50, %add3A_179 : i32
        %rem3A_181 = arith.constant 50 : i32
        %rem3A_182 = arith.remsi %add3A_180, %rem3A_181 : i32
        %eq3A_183 = arith.constant 0 : i32
        %eq3A_184 = arith.cmpi eq, %rem3A_182, %eq3A_183 : i32
        %add3A_185 = arith.constant 2 : i32
        %add3A_186 = arith.addi %mul3A_50, %add3A_185 : i32
        %lt3A_187 = arith.constant 250 : i32
        %lt3A_188 = arith.cmpi slt, %add3A_186, %lt3A_187 : i32
        %and3A_189 = arith.andi %eq3A_184, %lt3A_188 : i1
        %convert_element_type3A = arith.extui %and3A_189 : i1 to i32
        %cond3A = arith.constant 0 : i32
        %cond3A_190 = arith.cmpi ne, %convert_element_type3A, %cond3A : i32
        scf.if %cond3A_190 {
          %add3A_270 = arith.constant 2 : i32
          %add3A_271 = arith.addi %mul3A_50, %add3A_270 : i32
          %jit3A_272 = arith.constant 50 : i32
          %div3A_273 = arith.divsi %add3A_271, %jit3A_272 : i32
          %sign3A_274 = arith.constant 0 : i32
          %sign3A_275 = arith.cmpi sgt, %add3A_271, %sign3A_274 : i32
          %sign3A_276 = arith.extui %sign3A_275 : i1 to i32
          %sign3A_277 = arith.constant 0 : i32
          %sign3A_278 = arith.cmpi slt, %add3A_271, %sign3A_277 : i32
          %sign3A_279 = arith.extui %sign3A_278 : i1 to i32
          %sign3A_280 = arith.subi %sign3A_276, %sign3A_279 : i32
          %sign3A_281 = arith.constant 0 : i32
          %sign3A_282 = arith.cmpi sgt, %jit3A_272, %sign3A_281 : i32
          %sign3A_283 = arith.extui %sign3A_282 : i1 to i32
          %sign3A_284 = arith.constant 0 : i32
          %sign3A_285 = arith.cmpi slt, %jit3A_272, %sign3A_284 : i32
          %sign3A_286 = arith.extui %sign3A_285 : i1 to i32
          %sign3A_287 = arith.subi %sign3A_283, %sign3A_286 : i32
          %ne3A_288 = arith.cmpi ne, %sign3A_280, %sign3A_287 : i32
          %rem3A_289 = arith.remsi %add3A_271, %jit3A_272 : i32
          %ne3A_290 = arith.constant 0 : i32
          %ne3A_291 = arith.cmpi ne, %rem3A_289, %ne3A_290 : i32
          %and3A_292 = arith.andi %ne3A_288, %ne3A_291 : i1
          %sub3A_293 = arith.constant 1 : i32
          %sub3A_294 = arith.subi %div3A_273, %sub3A_293 : i32
          %select_n3A_295 = arith.select %and3A_292, %sub3A_294, %div3A_273 : i32
          %jit3A_296 = arith.constant 2 : i32
          %eq3A_297 = arith.constant 0 : i32
          %eq3A_298 = arith.cmpi eq, %jit3A_296, %eq3A_297 : i32
          %jit3A_299 = arith.constant 1 : i32
          %select_n3A_300 = arith.select %eq3A_298, %jit3A_299, %jit3A_296 : i32
          %rem3A_301 = arith.remsi %select_n3A_295, %select_n3A_300 : i32
          %ne3A_302 = arith.constant 0 : i32
          %ne3A_303 = arith.cmpi ne, %rem3A_301, %ne3A_302 : i32
          %lt3A_304 = arith.constant 0 : i32
          %lt3A_305 = arith.cmpi slt, %rem3A_301, %lt3A_304 : i32
          %lt3A_306 = arith.constant 0 : i32
          %lt3A_307 = arith.cmpi slt, %select_n3A_300, %lt3A_306 : i32
          %ne3A_308 = arith.xori %lt3A_305, %lt3A_307 : i1
          %and3A_309 = arith.andi %ne3A_308, %ne3A_303 : i1
          %add3A_310 = arith.addi %rem3A_301, %select_n3A_300 : i32
          %select_n3A_311 = arith.select %and3A_309, %add3A_310, %rem3A_301 : i32
          %mul3A_312 = arith.constant 250 : i32
          %mul3A_313 = arith.muli %arg1, %mul3A_312 : i32
          %mul3A_314 = arith.constant 50 : i32
          %mul3A_315 = arith.muli %select_n3A_295, %mul3A_314 : i32
          %add3A_316 = arith.addi %mul3A_313, %mul3A_315 : i32
          "tpu.region"() ({
            %run_scoped3A_323 = tpu.sem_alloc : memref<!tpu.dma_semaphore, #tpu.memory_space<semaphore_mem>>
            %dma_start3A_324 = arith.constant 0 : i32
            %dma_start3A_325 = arith.constant 0 : i32
            %dma_start3A_326 = tpu.memref_slice %arg9[%select_n3A_311, %dma_start3A_324, %dma_start3A_325] : memref<2x50x80xi32, #tpu.memory_space<vmem>> -> memref<1x50x80xi32, #tpu.memory_space<vmem>>
            %dma_start3A_327 = tpu.memref_squeeze %dma_start3A_326 : memref<1x50x80xi32, #tpu.memory_space<vmem>> -> memref<50x80xi32, #tpu.memory_space<vmem>>
            %dma_start3A_328 = arith.constant 0 : i32
            %dma_start3A_329 = tpu.memref_slice %arg3[%add3A_316, %dma_start3A_328] : memref<4000x80xi32, #tpu.memory_space<hbm>> -> memref<50x80xi32, #tpu.memory_space<hbm>>
            %dma_start3A_330 = arith.constant 0 : i32
            %dma_start3A_331 = arith.constant 0 : i32
            %dma_start3A_332 = tpu.memref_slice %arg9[%select_n3A_311, %dma_start3A_330, %dma_start3A_331] : memref<2x50x80xi32, #tpu.memory_space<vmem>> -> memref<1x50x80xi32, #tpu.memory_space<vmem>>
            %dma_start3A_333 = tpu.memref_squeeze %dma_start3A_332 : memref<1x50x80xi32, #tpu.memory_space<vmem>> -> memref<50x80xi32, #tpu.memory_space<vmem>>
            %dma_start3A_334 = arith.constant 0 : i32
            %dma_start3A_335 = tpu.memref_slice %arg3[%add3A_316, %dma_start3A_334] : memref<4000x80xi32, #tpu.memory_space<hbm>> -> memref<50x80xi32, #tpu.memory_space<hbm>>
            tpu.enqueue_dma source(%dma_start3A_335 : memref<50x80xi32, #tpu.memory_space<hbm>>) target(%dma_start3A_333 : memref<50x80xi32, #tpu.memory_space<vmem>>) target_semaphore(%run_scoped3A_323 : memref<!tpu.dma_semaphore, #tpu.memory_space<semaphore_mem>>)
            %dma_wait3A_336 = arith.constant 0 : i32
            %dma_wait3A_337 = arith.constant 0 : i32
            %dma_wait3A_338 = tpu.memref_slice %arg9[%select_n3A_311, %dma_wait3A_336, %dma_wait3A_337] : memref<2x50x80xi32, #tpu.memory_space<vmem>> -> memref<1x50x80xi32, #tpu.memory_space<vmem>>
            %dma_wait3A_339 = tpu.memref_squeeze %dma_wait3A_338 : memref<1x50x80xi32, #tpu.memory_space<vmem>> -> memref<50x80xi32, #tpu.memory_space<vmem>>
            %dma_wait3A_340 = arith.constant 0 : i32
            %dma_wait3A_341 = tpu.memref_slice %arg3[%add3A_316, %dma_wait3A_340] : memref<4000x80xi32, #tpu.memory_space<hbm>> -> memref<50x80xi32, #tpu.memory_space<hbm>>
            %dma_wait3A_342 = arith.constant 0 : i32
            %dma_wait3A_343 = arith.constant 0 : i32
            %dma_wait3A_344 = tpu.memref_slice %arg9[%select_n3A_311, %dma_wait3A_342, %dma_wait3A_343] : memref<2x50x80xi32, #tpu.memory_space<vmem>> -> memref<1x50x80xi32, #tpu.memory_space<vmem>>
            %dma_wait3A_345 = tpu.memref_squeeze %dma_wait3A_344 : memref<1x50x80xi32, #tpu.memory_space<vmem>> -> memref<50x80xi32, #tpu.memory_space<vmem>>
            %dma_wait3A_346 = arith.constant 0 : i32
            %dma_wait3A_347 = tpu.memref_slice %arg3[%add3A_316, %dma_wait3A_346] : memref<4000x80xi32, #tpu.memory_space<hbm>> -> memref<50x80xi32, #tpu.memory_space<hbm>>
            tpu.wait_dma2 semaphore(%run_scoped3A_323 : memref<!tpu.dma_semaphore, #tpu.memory_space<semaphore_mem>>) src(%dma_wait3A_347 : memref<50x80xi32, #tpu.memory_space<hbm>>) dst(%dma_wait3A_345 : memref<50x80xi32, #tpu.memory_space<vmem>>)
            tpu.yield
          }) : () -> ()
          "tpu.region"() ({
            %run_scoped3A_323 = tpu.sem_alloc : memref<!tpu.dma_semaphore, #tpu.memory_space<semaphore_mem>>
            %dma_start3A_324 = arith.constant 0 : i32
            %dma_start3A_325 = arith.constant 0 : i32
            %dma_start3A_326 = tpu.memref_slice %arg10[%select_n3A_311, %dma_start3A_324, %dma_start3A_325] : memref<2x50x80xi32, #tpu.memory_space<vmem>> -> memref<1x50x80xi32, #tpu.memory_space<vmem>>
            %dma_start3A_327 = tpu.memref_squeeze %dma_start3A_326 : memref<1x50x80xi32, #tpu.memory_space<vmem>> -> memref<50x80xi32, #tpu.memory_space<vmem>>
            %dma_start3A_328 = arith.constant 0 : i32
            %dma_start3A_329 = tpu.memref_slice %arg4[%add3A_316, %dma_start3A_328] : memref<4000x80xi32, #tpu.memory_space<hbm>> -> memref<50x80xi32, #tpu.memory_space<hbm>>
            %dma_start3A_330 = arith.constant 0 : i32
            %dma_start3A_331 = arith.constant 0 : i32
            %dma_start3A_332 = tpu.memref_slice %arg10[%select_n3A_311, %dma_start3A_330, %dma_start3A_331] : memref<2x50x80xi32, #tpu.memory_space<vmem>> -> memref<1x50x80xi32, #tpu.memory_space<vmem>>
            %dma_start3A_333 = tpu.memref_squeeze %dma_start3A_332 : memref<1x50x80xi32, #tpu.memory_space<vmem>> -> memref<50x80xi32, #tpu.memory_space<vmem>>
            %dma_start3A_334 = arith.constant 0 : i32
            %dma_start3A_335 = tpu.memref_slice %arg4[%add3A_316, %dma_start3A_334] : memref<4000x80xi32, #tpu.memory_space<hbm>> -> memref<50x80xi32, #tpu.memory_space<hbm>>
            tpu.enqueue_dma source(%dma_start3A_335 : memref<50x80xi32, #tpu.memory_space<hbm>>) target(%dma_start3A_333 : memref<50x80xi32, #tpu.memory_space<vmem>>) target_semaphore(%run_scoped3A_323 : memref<!tpu.dma_semaphore, #tpu.memory_space<semaphore_mem>>)
            %dma_wait3A_336 = arith.constant 0 : i32
            %dma_wait3A_337 = arith.constant 0 : i32
            %dma_wait3A_338 = tpu.memref_slice %arg10[%select_n3A_311, %dma_wait3A_336, %dma_wait3A_337] : memref<2x50x80xi32, #tpu.memory_space<vmem>> -> memref<1x50x80xi32, #tpu.memory_space<vmem>>
            %dma_wait3A_339 = tpu.memref_squeeze %dma_wait3A_338 : memref<1x50x80xi32, #tpu.memory_space<vmem>> -> memref<50x80xi32, #tpu.memory_space<vmem>>
            %dma_wait3A_340 = arith.constant 0 : i32
            %dma_wait3A_341 = tpu.memref_slice %arg4[%add3A_316, %dma_wait3A_340] : memref<4000x80xi32, #tpu.memory_space<hbm>> -> memref<50x80xi32, #tpu.memory_space<hbm>>
            %dma_wait3A_342 = arith.constant 0 : i32
            %dma_wait3A_343 = arith.constant 0 : i32
            %dma_wait3A_344 = tpu.memref_slice %arg10[%select_n3A_311, %dma_wait3A_342, %dma_wait3A_343] : memref<2x50x80xi32, #tpu.memory_space<vmem>> -> memref<1x50x80xi32, #tpu.memory_space<vmem>>
            %dma_wait3A_345 = tpu.memref_squeeze %dma_wait3A_344 : memref<1x50x80xi32, #tpu.memory_space<vmem>> -> memref<50x80xi32, #tpu.memory_space<vmem>>
            %dma_wait3A_346 = arith.constant 0 : i32
            %dma_wait3A_347 = tpu.memref_slice %arg4[%add3A_316, %dma_wait3A_346] : memref<4000x80xi32, #tpu.memory_space<hbm>> -> memref<50x80xi32, #tpu.memory_space<hbm>>
            tpu.wait_dma2 semaphore(%run_scoped3A_323 : memref<!tpu.dma_semaphore, #tpu.memory_space<semaphore_mem>>) src(%dma_wait3A_347 : memref<50x80xi32, #tpu.memory_space<hbm>>) dst(%dma_wait3A_345 : memref<50x80xi32, #tpu.memory_space<vmem>>)
            tpu.yield
          }) : () -> ()
          %scan3A_317 = arith.constant 0 : i32
          %scan3A_318 = arith.constant 0 : i32
          %scan3A_319 = arith.constant 50 : i32
          %scan3A_320 = arith.addi %scan3A_318, %scan3A_319 : i32
          %scan3A_321 = arith.constant 1 : i32
          scf.for %scan3A_323 = %scan3A_318 to %scan3A_320 step %scan3A_321  : i32 {
            %get3A = arith.index_cast %select_n3A_311 : i32 to index
            %get3A_324 = arith.index_cast %scan3A_323 : i32 to index
            %get3A_325 = arith.constant 0 : index
            %get3A_326 = tpu.vector_load %arg9[%get3A, %get3A_324, %get3A_325] {strides = array<i32>} : memref<2x50x80xi32, #tpu.memory_space<vmem>>, vector<16xi32>,
            %add3A_327 = vector.broadcast %mul3A_8 : i32 to vector<16xi32>
            %add3A_328 = arith.addi %get3A_326, %add3A_327 : vector<16xi32>
            %swap3A = arith.index_cast %select_n3A_311 : i32 to index
            %swap3A_329 = arith.index_cast %scan3A_323 : i32 to index
            %swap3A_330 = arith.constant 0 : index
            %swap3A_331 = tpu.vector_load %arg9[%swap3A, %swap3A_329, %swap3A_330] {strides = array<i32>} : memref<2x50x80xi32, #tpu.memory_space<vmem>>, vector<16xi32>,
            tpu.vector_store %arg9[%swap3A, %swap3A_329, %swap3A_330], %add3A_328 {strides = array<i32>} : memref<2x50x80xi32, #tpu.memory_space<vmem>>, vector<16xi32>,
            %get3A_332 = arith.index_cast %select_n3A_311 : i32 to index
            %get3A_333 = arith.index_cast %scan3A_323 : i32 to index
            %get3A_334 = arith.constant 16 : index
            %get3A_335 = tpu.vector_load %arg9[%get3A_332, %get3A_333, %get3A_334] {strides = array<i32>} : memref<2x50x80xi32, #tpu.memory_space<vmem>>, vector<16xi32>,
            %add3A_336 = vector.broadcast %mul3A_8 : i32 to vector<16xi32>
            %add3A_337 = arith.addi %get3A_335, %add3A_336 : vector<16xi32>
            %swap3A_338 = arith.index_cast %select_n3A_311 : i32 to index
            %swap3A_339 = arith.index_cast %scan3A_323 : i32 to index
            %swap3A_340 = arith.constant 16 : index
            %swap3A_341 = tpu.vector_load %arg9[%swap3A_338, %swap3A_339, %swap3A_340] {strides = array<i32>} : memref<2x50x80xi32, #tpu.memory_space<vmem>>, vector<16xi32>,
            tpu.vector_store %arg9[%swap3A_338, %swap3A_339, %swap3A_340], %add3A_337 {strides = array<i32>} : memref<2x50x80xi32, #tpu.memory_space<vmem>>, vector<16xi32>,
            %get3A_342 = arith.index_cast %select_n3A_311 : i32 to index
            %get3A_343 = arith.index_cast %scan3A_323 : i32 to index
            %get3A_344 = arith.constant 32 : index
            %get3A_345 = tpu.vector_load %arg9[%get3A_342, %get3A_343, %get3A_344] {strides = array<i32>} : memref<2x50x80xi32, #tpu.memory_space<vmem>>, vector<16xi32>,
            %add3A_346 = vector.broadcast %mul3A_8 : i32 to vector<16xi32>
            %add3A_347 = arith.addi %get3A_345, %add3A_346 : vector<16xi32>
            %swap3A_348 = arith.index_cast %select_n3A_311 : i32 to index
            %swap3A_349 = arith.index_cast %scan3A_323 : i32 to index
            %swap3A_350 = arith.constant 32 : index
            %swap3A_351 = tpu.vector_load %arg9[%swap3A_348, %swap3A_349, %swap3A_350] {strides = array<i32>} : memref<2x50x80xi32, #tpu.memory_space<vmem>>, vector<16xi32>,
            tpu.vector_store %arg9[%swap3A_348, %swap3A_349, %swap3A_350], %add3A_347 {strides = array<i32>} : memref<2x50x80xi32, #tpu.memory_space<vmem>>, vector<16xi32>,
            %get3A_352 = arith.index_cast %select_n3A_311 : i32 to index
            %get3A_353 = arith.index_cast %scan3A_323 : i32 to index
            %get3A_354 = arith.constant 48 : index
            %get3A_355 = tpu.vector_load %arg9[%get3A_352, %get3A_353, %get3A_354] {strides = array<i32>} : memref<2x50x80xi32, #tpu.memory_space<vmem>>, vector<16xi32>,
            %add3A_356 = vector.broadcast %mul3A_8 : i32 to vector<16xi32>
            %add3A_357 = arith.addi %get3A_355, %add3A_356 : vector<16xi32>
            %swap3A_358 = arith.index_cast %select_n3A_311 : i32 to index
            %swap3A_359 = arith.index_cast %scan3A_323 : i32 to index
            %swap3A_360 = arith.constant 48 : index
            %swap3A_361 = tpu.vector_load %arg9[%swap3A_358, %swap3A_359, %swap3A_360] {strides = array<i32>} : memref<2x50x80xi32, #tpu.memory_space<vmem>>, vector<16xi32>,
            tpu.vector_store %arg9[%swap3A_358, %swap3A_359, %swap3A_360], %add3A_357 {strides = array<i32>} : memref<2x50x80xi32, #tpu.memory_space<vmem>>, vector<16xi32>,
            %get3A_362 = arith.index_cast %select_n3A_311 : i32 to index
            %get3A_363 = arith.index_cast %scan3A_323 : i32 to index
            %get3A_364 = arith.constant 64 : index
            %get3A_365 = tpu.vector_load %arg9[%get3A_362, %get3A_363, %get3A_364] {strides = array<i32>} : memref<2x50x80xi32, #tpu.memory_space<vmem>>, vector<16xi32>,
            %add3A_366 = vector.broadcast %mul3A_8 : i32 to vector<16xi32>
            %add3A_367 = arith.addi %get3A_365, %add3A_366 : vector<16xi32>
            %swap3A_368 = arith.index_cast %select_n3A_311 : i32 to index
            %swap3A_369 = arith.index_cast %scan3A_323 : i32 to index
            %swap3A_370 = arith.constant 64 : index
            %swap3A_371 = tpu.vector_load %arg9[%swap3A_368, %swap3A_369, %swap3A_370] {strides = array<i32>} : memref<2x50x80xi32, #tpu.memory_space<vmem>>, vector<16xi32>,
            tpu.vector_store %arg9[%swap3A_368, %swap3A_369, %swap3A_370], %add3A_367 {strides = array<i32>} : memref<2x50x80xi32, #tpu.memory_space<vmem>>, vector<16xi32>,
          }
          %scan3A_322 = arith.constant 50 : i32
        } else {
        }
        %add3A_191 = arith.constant 2 : i32
        %add3A_192 = arith.addi %mul3A_50, %add3A_191 : i32
        %lt3A_193 = arith.constant 250 : i32
        %lt3A_194 = arith.cmpi slt, %add3A_192, %lt3A_193 : i32
        %convert_element_type3A_195 = arith.extui %lt3A_194 : i1 to i32
        %cond3A_196 = arith.constant 0 : i32
        %cond3A_197 = arith.cmpi ne, %convert_element_type3A_195, %cond3A_196 : i32
        scf.if %cond3A_197 {
          %add3A_270 = arith.constant 2 : i32
          %add3A_271 = arith.addi %mul3A_50, %add3A_270 : i32
          %jit3A_272 = arith.constant 50 : i32
          %div3A_273 = arith.divsi %add3A_271, %jit3A_272 : i32
          %sign3A_274 = arith.constant 0 : i32
          %sign3A_275 = arith.cmpi sgt, %add3A_271, %sign3A_274 : i32
          %sign3A_276 = arith.extui %sign3A_275 : i1 to i32
          %sign3A_277 = arith.constant 0 : i32
          %sign3A_278 = arith.cmpi slt, %add3A_271, %sign3A_277 : i32
          %sign3A_279 = arith.extui %sign3A_278 : i1 to i32
          %sign3A_280 = arith.subi %sign3A_276, %sign3A_279 : i32
          %sign3A_281 = arith.constant 0 : i32
          %sign3A_282 = arith.cmpi sgt, %jit3A_272, %sign3A_281 : i32
          %sign3A_283 = arith.extui %sign3A_282 : i1 to i32
          %sign3A_284 = arith.constant 0 : i32
          %sign3A_285 = arith.cmpi slt, %jit3A_272, %sign3A_284 : i32
          %sign3A_286 = arith.extui %sign3A_285 : i1 to i32
          %sign3A_287 = arith.subi %sign3A_283, %sign3A_286 : i32
          %ne3A_288 = arith.cmpi ne, %sign3A_280, %sign3A_287 : i32
          %rem3A_289 = arith.remsi %add3A_271, %jit3A_272 : i32
          %ne3A_290 = arith.constant 0 : i32
          %ne3A_291 = arith.cmpi ne, %rem3A_289, %ne3A_290 : i32
          %and3A_292 = arith.andi %ne3A_288, %ne3A_291 : i1
          %sub3A_293 = arith.constant 1 : i32
          %sub3A_294 = arith.subi %div3A_273, %sub3A_293 : i32
          %select_n3A_295 = arith.select %and3A_292, %sub3A_294, %div3A_273 : i32
          %jit3A_296 = arith.constant 2 : i32
          %eq3A_297 = arith.constant 0 : i32
          %eq3A_298 = arith.cmpi eq, %jit3A_296, %eq3A_297 : i32
          %jit3A_299 = arith.constant 1 : i32
          %select_n3A_300 = arith.select %eq3A_298, %jit3A_299, %jit3A_296 : i32
          %rem3A_301 = arith.remsi %select_n3A_295, %select_n3A_300 : i32
          %ne3A_302 = arith.constant 0 : i32
          %ne3A_303 = arith.cmpi ne, %rem3A_301, %ne3A_302 : i32
          %lt3A_304 = arith.constant 0 : i32
          %lt3A_305 = arith.cmpi slt, %rem3A_301, %lt3A_304 : i32
          %lt3A_306 = arith.constant 0 : i32
          %lt3A_307 = arith.cmpi slt, %select_n3A_300, %lt3A_306 : i32
          %ne3A_308 = arith.xori %lt3A_305, %lt3A_307 : i1
          %and3A_309 = arith.andi %ne3A_308, %ne3A_303 : i1
          %add3A_310 = arith.addi %rem3A_301, %select_n3A_300 : i32
          %select_n3A_311 = arith.select %and3A_309, %add3A_310, %rem3A_301 : i32
          %jit3A_312 = arith.constant 50 : i32
          %eq3A_313 = arith.constant 0 : i32
          %eq3A_314 = arith.cmpi eq, %jit3A_312, %eq3A_313 : i32
          %jit3A_315 = arith.constant 1 : i32
          %select_n3A_316 = arith.select %eq3A_314, %jit3A_315, %jit3A_312 : i32
          %rem3A_317 = arith.remsi %add3A_271, %select_n3A_316 : i32
          %ne3A_318 = arith.constant 0 : i32
          %ne3A_319 = arith.cmpi ne, %rem3A_317, %ne3A_318 : i32
          %lt3A_320 = arith.constant 0 : i32
          %lt3A_321 = arith.cmpi slt, %rem3A_317, %lt3A_320 : i32
          %lt3A_322 = arith.constant 0 : i32
          %lt3A_323 = arith.cmpi slt, %select_n3A_316, %lt3A_322 : i32
          %ne3A_324 = arith.xori %lt3A_321, %lt3A_323 : i1
          %and3A_325 = arith.andi %ne3A_324, %ne3A_319 : i1
          %add3A_326 = arith.addi %rem3A_317, %select_n3A_316 : i32
          %select_n3A_327 = arith.select %and3A_325, %add3A_326, %rem3A_317 : i32
          %dma_start3A_328 = arith.constant 0 : i32
          %dma_start3A_329 = arith.constant 0 : i32
          %dma_start3A_330 = arith.constant 0 : i32
          %dma_start3A_331 = tpu.memref_slice %arg8[%dma_start3A_328, %dma_start3A_329, %dma_start3A_330] : memref<2x80x128xf32, #tpu.memory_space<vmem>> -> memref<1x80x128xf32, #tpu.memory_space<vmem>>
          %dma_start3A_332 = tpu.memref_squeeze %dma_start3A_331 : memref<1x80x128xf32, #tpu.memory_space<vmem>> -> memref<80x128xf32, #tpu.memory_space<vmem>>
          %dma_start3A_333 = arith.constant 0 : i32
          %dma_start3A_334 = tpu.memref_slice %arg9[%select_n3A_311, %select_n3A_327, %dma_start3A_333] : memref<2x50x80xi32, #tpu.memory_space<vmem>> -> memref<1x1x80xi32, #tpu.memory_space<vmem>>
          %dma_start3A_335 = tpu.memref_squeeze %dma_start3A_334 : memref<1x1x80xi32, #tpu.memory_space<vmem>> -> memref<80xi32, #tpu.memory_space<vmem>>
          %dma_start3A_336 = arith.constant 0 : i32
          %dma_start3A_337 = arith.constant 0 : i32
          %dma_start3A_338 = tpu.memref_slice %arg2[%dma_start3A_336, %dma_start3A_337] : memref<120000x128xf32, #tpu.memory_space<hbm>> -> memref<120000x128xf32, #tpu.memory_space<hbm>>
          tpu.enqueue_indirect_dma source(%dma_start3A_338 : memref<120000x128xf32, #tpu.memory_space<hbm>>) target(%dma_start3A_332 : memref<80x128xf32, #tpu.memory_space<vmem>>) offsets(%dma_start3A_335 : memref<80xi32, #tpu.memory_space<vmem>>) semaphore(%arg11 : memref<!tpu.dma_semaphore, #tpu.memory_space<semaphore_mem>>)
        } else {
        }
        %add3A_198 = arith.constant 1 : i32
        %add3A_199 = arith.addi %mul3A_50, %add3A_198 : i32
        %jit3A_200 = arith.constant 50 : i32
        %div3A_201 = arith.divsi %add3A_199, %jit3A_200 : i32
        %sign3A_202 = arith.constant 0 : i32
        %sign3A_203 = arith.cmpi sgt, %add3A_199, %sign3A_202 : i32
        %sign3A_204 = arith.extui %sign3A_203 : i1 to i32
        %sign3A_205 = arith.constant 0 : i32
        %sign3A_206 = arith.cmpi slt, %add3A_199, %sign3A_205 : i32
        %sign3A_207 = arith.extui %sign3A_206 : i1 to i32
        %sign3A_208 = arith.subi %sign3A_204, %sign3A_207 : i32
        %sign3A_209 = arith.constant 0 : i32
        %sign3A_210 = arith.cmpi sgt, %jit3A_200, %sign3A_209 : i32
        %sign3A_211 = arith.extui %sign3A_210 : i1 to i32
        %sign3A_212 = arith.constant 0 : i32
        %sign3A_213 = arith.cmpi slt, %jit3A_200, %sign3A_212 : i32
        %sign3A_214 = arith.extui %sign3A_213 : i1 to i32
        %sign3A_215 = arith.subi %sign3A_211, %sign3A_214 : i32
        %ne3A_216 = arith.cmpi ne, %sign3A_208, %sign3A_215 : i32
        %rem3A_217 = arith.remsi %add3A_199, %jit3A_200 : i32
        %ne3A_218 = arith.constant 0 : i32
        %ne3A_219 = arith.cmpi ne, %rem3A_217, %ne3A_218 : i32
        %and3A_220 = arith.andi %ne3A_216, %ne3A_219 : i1
        %sub3A_221 = arith.constant 1 : i32
        %sub3A_222 = arith.subi %div3A_201, %sub3A_221 : i32
        %select_n3A_223 = arith.select %and3A_220, %sub3A_222, %div3A_201 : i32
        %jit3A_224 = arith.constant 2 : i32
        %eq3A_225 = arith.constant 0 : i32
        %eq3A_226 = arith.cmpi eq, %jit3A_224, %eq3A_225 : i32
        %jit3A_227 = arith.constant 1 : i32
        %select_n3A_228 = arith.select %eq3A_226, %jit3A_227, %jit3A_224 : i32
        %rem3A_229 = arith.remsi %select_n3A_223, %select_n3A_228 : i32
        %ne3A_230 = arith.constant 0 : i32
        %ne3A_231 = arith.cmpi ne, %rem3A_229, %ne3A_230 : i32
        %lt3A_232 = arith.constant 0 : i32
        %lt3A_233 = arith.cmpi slt, %rem3A_229, %lt3A_232 : i32
        %lt3A_234 = arith.constant 0 : i32
        %lt3A_235 = arith.cmpi slt, %select_n3A_228, %lt3A_234 : i32
        %ne3A_236 = arith.xori %lt3A_233, %lt3A_235 : i1
        %and3A_237 = arith.andi %ne3A_236, %ne3A_231 : i1
        %add3A_238 = arith.addi %rem3A_229, %select_n3A_228 : i32
        %select_n3A_239 = arith.select %and3A_237, %add3A_238, %rem3A_229 : i32
        %jit3A_240 = arith.constant 50 : i32
        %eq3A_241 = arith.constant 0 : i32
        %eq3A_242 = arith.cmpi eq, %jit3A_240, %eq3A_241 : i32
        %jit3A_243 = arith.constant 1 : i32
        %select_n3A_244 = arith.select %eq3A_242, %jit3A_243, %jit3A_240 : i32
        %rem3A_245 = arith.remsi %add3A_199, %select_n3A_244 : i32
        %ne3A_246 = arith.constant 0 : i32
        %ne3A_247 = arith.cmpi ne, %rem3A_245, %ne3A_246 : i32
        %lt3A_248 = arith.constant 0 : i32
        %lt3A_249 = arith.cmpi slt, %rem3A_245, %lt3A_248 : i32
        %lt3A_250 = arith.constant 0 : i32
        %lt3A_251 = arith.cmpi slt, %select_n3A_244, %lt3A_250 : i32
        %ne3A_252 = arith.xori %lt3A_249, %lt3A_251 : i1
        %and3A_253 = arith.andi %ne3A_252, %ne3A_247 : i1
        %add3A_254 = arith.addi %rem3A_245, %select_n3A_244 : i32
        %select_n3A_255 = arith.select %and3A_253, %add3A_254, %rem3A_245 : i32
        %dma_wait3A_256 = arith.constant 0 : i32
        %dma_wait3A_257 = arith.constant 0 : i32
        %dma_wait3A_258 = arith.constant 1 : i32
        %dma_wait3A_259 = arith.constant 0 : i32
        %dma_wait3A_260 = arith.constant 0 : i32
        %dma_wait3A_261 = tpu.memref_slice %arg8[%dma_wait3A_258, %dma_wait3A_259, %dma_wait3A_260] : memref<2x80x128xf32, #tpu.memory_space<vmem>> -> memref<1x80x128xf32, #tpu.memory_space<vmem>>
        %dma_wait3A_262 = tpu.memref_squeeze %dma_wait3A_261 : memref<1x80x128xf32, #tpu.memory_space<vmem>> -> memref<80x128xf32, #tpu.memory_space<vmem>>
        %dma_wait3A_263 = arith.constant 0 : i32
        %dma_wait3A_264 = tpu.memref_slice %arg9[%dma_wait3A_256, %dma_wait3A_257, %dma_wait3A_263] : memref<2x50x80xi32, #tpu.memory_space<vmem>> -> memref<1x1x80xi32, #tpu.memory_space<vmem>>
        %dma_wait3A_265 = tpu.memref_squeeze %dma_wait3A_264 : memref<1x1x80xi32, #tpu.memory_space<vmem>> -> memref<80xi32, #tpu.memory_space<vmem>>
        %dma_wait3A_266 = arith.constant 0 : i32
        %dma_wait3A_267 = arith.constant 0 : i32
        %dma_wait3A_268 = tpu.memref_slice %arg2[%dma_wait3A_266, %dma_wait3A_267] : memref<120000x128xf32, #tpu.memory_space<hbm>> -> memref<120000x128xf32, #tpu.memory_space<hbm>>
        tpu.wait_indirect_dma semaphore(%arg12 : memref<!tpu.dma_semaphore, #tpu.memory_space<semaphore_mem>>) src(%dma_wait3A_268 : memref<120000x128xf32, #tpu.memory_space<hbm>>) dst(%dma_wait3A_262 : memref<80x128xf32, #tpu.memory_space<vmem>>)
        %run_scoped3A_269 = arith.constant 1 : i32
        "tpu.region"() ({
          %run_scoped3A_270 = tpu.sem_alloc : memref<!tpu.dma_semaphore, #tpu.memory_space<semaphore_mem>>
          %dma_start3A_271 = arith.constant 0 : i32
          %dma_start3A_272 = arith.constant 0 : i32
          %dma_start3A_273 = tpu.memref_slice %arg8[%run_scoped3A_269, %dma_start3A_271, %dma_start3A_272] : memref<2x80x128xf32, #tpu.memory_space<vmem>> -> memref<1x80x128xf32, #tpu.memory_space<vmem>>
          %dma_start3A_274 = tpu.memref_squeeze %dma_start3A_273 : memref<1x80x128xf32, #tpu.memory_space<vmem>> -> memref<80x128xf32, #tpu.memory_space<vmem>>
          %dma_start3A_275 = arith.constant 0 : i32
          %dma_start3A_276 = tpu.memref_slice %arg10[%select_n3A_239, %select_n3A_255, %dma_start3A_275] : memref<2x50x80xi32, #tpu.memory_space<vmem>> -> memref<1x1x80xi32, #tpu.memory_space<vmem>>
          %dma_start3A_277 = tpu.memref_squeeze %dma_start3A_276 : memref<1x1x80xi32, #tpu.memory_space<vmem>> -> memref<80xi32, #tpu.memory_space<vmem>>
          %dma_start3A_278 = arith.constant 0 : i32
          %dma_start3A_279 = arith.constant 0 : i32
          %dma_start3A_280 = tpu.memref_slice %arg7[%dma_start3A_278, %dma_start3A_279] : memref<10000x128xf32, #tpu.memory_space<vmem_shared>> -> memref<10000x128xf32, #tpu.memory_space<vmem_shared>>
          tpu.enqueue_indirect_dma source(%dma_start3A_274 : memref<80x128xf32, #tpu.memory_space<vmem>>) target(%dma_start3A_280 : memref<10000x128xf32, #tpu.memory_space<vmem_shared>>) offsets(%dma_start3A_277 : memref<80xi32, #tpu.memory_space<vmem>>) semaphore(%run_scoped3A_270 : memref<!tpu.dma_semaphore, #tpu.memory_space<semaphore_mem>>) {add = true}
          %dma_wait3A_281 = arith.constant 0 : i32
          %dma_wait3A_282 = arith.constant 0 : i32
          %dma_wait3A_283 = tpu.memref_slice %arg8[%run_scoped3A_269, %dma_wait3A_281, %dma_wait3A_282] : memref<2x80x128xf32, #tpu.memory_space<vmem>> -> memref<1x80x128xf32, #tpu.memory_space<vmem>>
          %dma_wait3A_284 = tpu.memref_squeeze %dma_wait3A_283 : memref<1x80x128xf32, #tpu.memory_space<vmem>> -> memref<80x128xf32, #tpu.memory_space<vmem>>
          %dma_wait3A_285 = arith.constant 0 : i32
          %dma_wait3A_286 = tpu.memref_slice %arg10[%select_n3A_239, %select_n3A_255, %dma_wait3A_285] : memref<2x50x80xi32, #tpu.memory_space<vmem>> -> memref<1x1x80xi32, #tpu.memory_space<vmem>>
          %dma_wait3A_287 = tpu.memref_squeeze %dma_wait3A_286 : memref<1x1x80xi32, #tpu.memory_space<vmem>> -> memref<80xi32, #tpu.memory_space<vmem>>
          %dma_wait3A_288 = arith.constant 0 : i32
          %dma_wait3A_289 = arith.constant 0 : i32
          %dma_wait3A_290 = tpu.memref_slice %arg7[%dma_wait3A_288, %dma_wait3A_289] : memref<10000x128xf32, #tpu.memory_space<vmem_shared>> -> memref<10000x128xf32, #tpu.memory_space<vmem_shared>>
          tpu.wait_indirect_dma semaphore(%run_scoped3A_270 : memref<!tpu.dma_semaphore, #tpu.memory_space<semaphore_mem>>) src(%dma_wait3A_284 : memref<80x128xf32, #tpu.memory_space<vmem>>) dst(%dma_wait3A_290 : memref<10000x128xf32, #tpu.memory_space<vmem_shared>>)
          tpu.yield
        }) : () -> ()
      }
      %scan3A_39 = arith.constant 125 : i32
      %barrier3A_40 = arith.constant 0 : index
      tpu.barrier barrier_id(%barrier3A_40)
      %mul3A_41 = arith.constant 625 : i32
      %mul3A_42 = arith.muli %arg1, %mul3A_41 : i32
      %mul3A_43 = arith.constant 10000 : i32
      %mul3A_44 = arith.muli %add3A, %mul3A_43 : i32
      %mul3A_45 = arith.constant 625 : i32
      %mul3A_46 = arith.muli %arg1, %mul3A_45 : i32
      %add3A_47 = arith.addi %mul3A_44, %mul3A_46 : i32
      "tpu.region"() ({
        %run_scoped3A_48 = tpu.sem_alloc : memref<!tpu.dma_semaphore, #tpu.memory_space<semaphore_mem>>
        %dma_start3A_49 = arith.constant 0 : i32
        %dma_start3A_50 = tpu.memref_slice %arg6[%add3A_47, %dma_start3A_49] : memref<120000x128xf32, #tpu.memory_space<hbm>> -> memref<625x128xf32, #tpu.memory_space<hbm>>
        %dma_start3A_51 = arith.constant 0 : i32
        %dma_start3A_52 = tpu.memref_slice %arg7[%mul3A_42, %dma_start3A_51] : memref<10000x128xf32, #tpu.memory_space<vmem_shared>> -> memref<625x128xf32, #tpu.memory_space<vmem_shared>>
        tpu.enqueue_dma source(%dma_start3A_52 : memref<625x128xf32, #tpu.memory_space<vmem_shared>>) target(%dma_start3A_50 : memref<625x128xf32, #tpu.memory_space<hbm>>) target_semaphore(%run_scoped3A_48 : memref<!tpu.dma_semaphore, #tpu.memory_space<semaphore_mem>>)
        %dma_wait3A = arith.constant 0 : i32
        %dma_wait3A_53 = tpu.memref_slice %arg6[%add3A_47, %dma_wait3A] : memref<120000x128xf32, #tpu.memory_space<hbm>> -> memref<625x128xf32, #tpu.memory_space<hbm>>
        %dma_wait3A_54 = arith.constant 0 : i32
        %dma_wait3A_55 = tpu.memref_slice %arg7[%mul3A_42, %dma_wait3A_54] : memref<10000x128xf32, #tpu.memory_space<vmem_shared>> -> memref<625x128xf32, #tpu.memory_space<vmem_shared>>
        tpu.wait_dma2 semaphore(%run_scoped3A_48 : memref<!tpu.dma_semaphore, #tpu.memory_space<semaphore_mem>>) src(%dma_wait3A_55 : memref<625x128xf32, #tpu.memory_space<vmem_shared>>) dst(%dma_wait3A_53 : memref<625x128xf32, #tpu.memory_space<hbm>>)
        tpu.yield
      }) : () -> ()
    }
    %scan3A_4 = arith.constant 6 : i32
    return
  }
}

module attributes {stable_mosaic.version = 14 : i64} {
  func.func @_prescale_body(%arg0: i32, %arg1: memref<12x400x128xf32, #tpu.memory_space<vmem>>, %arg2: memref<400x32xf32, #tpu.memory_space<vmem>>, %arg3: memref<12x400x128xf32, #tpu.memory_space<vmem>>) attributes {dimension_semantics = [#tpu.dimension_semantics<arbitrary>], iteration_bounds = array<i64: 25>, scalar_prefetch = 0 : i64, scratch_operands = 0 : i64, tpu.core_type = #tpu.core_type<tc>, window_params = [{transform_indices = @transform_0, window_bounds = array<i64: 12, 400, 128>}, {transform_indices = @transform_1, window_bounds = array<i64: 400, 32>}, {transform_indices = @transform_2, window_bounds = array<i64: 12, 400, 128>}]} {
    %get3A = arith.constant 0 : index
    %get3A_0 = arith.constant 0 : index
    %get3A_1 = vector.load %arg2[%get3A, %get3A_0] : memref<400x32xf32, #tpu.memory_space<vmem>>, vector<400x32xf32>
    %reduce_sum3A = arith.constant dense<0.000000e+00> : vector<400xf32>
    %reduce_sum3A_2 = vector.multi_reduction <add>, %get3A_1, %reduce_sum3A [1] : vector<400x32xf32> to vector<400xf32>
    %broadcast_in_dim3A = vector.shape_cast %reduce_sum3A_2 : vector<400xf32> to vector<400x1xf32>
    %add3A = arith.constant 1.000000e+00 : f32
    %add3A_3 = vector.broadcast %add3A : f32 to vector<400x1xf32>
    %add3A_4 = arith.addf %broadcast_in_dim3A, %add3A_3 : vector<400x1xf32>
    %rsqrt3A = math.rsqrt %add3A_4 : vector<400x1xf32>
    %get3A_5 = arith.constant 0 : index
    %get3A_6 = arith.constant 0 : index
    %get3A_7 = arith.constant 0 : index
    %get3A_8 = vector.load %arg1[%get3A_5, %get3A_6, %get3A_7] : memref<12x400x128xf32, #tpu.memory_space<vmem>>, vector<12x400x128xf32>
    %broadcast_in_dim3A_9 = vector.shape_cast %rsqrt3A : vector<400x1xf32> to vector<1x400x1xf32>
    %mul3A = vector.broadcast %broadcast_in_dim3A_9 : vector<1x400x1xf32> to vector<12x400x128xf32>
    %mul3A_10 = arith.mulf %get3A_8, %mul3A : vector<12x400x128xf32>
    %swap3A = arith.constant 0 : index
    %swap3A_11 = arith.constant 0 : index
    %swap3A_12 = arith.constant 0 : index
    %swap3A_13 = vector.load %arg3[%swap3A, %swap3A_11, %swap3A_12] : memref<12x400x128xf32, #tpu.memory_space<vmem>>, vector<12x400x128xf32>
    tpu.vector_store %arg3[%swap3A, %swap3A_11, %swap3A_12], %mul3A_10 {strides = array<i32>} : memref<12x400x128xf32, #tpu.memory_space<vmem>>, vector<12x400x128xf32>,
    return
  }
  func.func @transform_0(%arg0: i32) -> (i32, i32, i32) {
    %c0_i32 = arith.constant 0 : i32
    %c0_i32_0 = arith.constant 0 : i32
    %c0_i32_1 = arith.constant 0 : i32
    return %c0_i32, %arg0, %c0_i32_0 : i32, i32, i32
  }
  func.func @transform_1(%arg0: i32) -> (i32, i32) {
    %c0_i32 = arith.constant 0 : i32
    %c0_i32_0 = arith.constant 0 : i32
    return %arg0, %c0_i32 : i32, i32
  }
  func.func @transform_2(%arg0: i32) -> (i32, i32, i32) {
    %c0_i32 = arith.constant 0 : i32
    %c0_i32_0 = arith.constant 0 : i32
    %c0_i32_1 = arith.constant 0 : i32
    return %c0_i32, %arg0, %c0_i32_0 : i32, i32, i32
  }
}

module attributes {stable_mosaic.version = 14 : i64} {
  func.func @_dense_body(%arg0: i32, %arg1: memref<12x400x128xf32, #tpu.memory_space<vmem>>, %arg2: memref<12x400x128xf32, #tpu.memory_space<vmem>>, %arg3: memref<400x32xf32, #tpu.memory_space<vmem>>, %arg4: memref<128x128xf32, #tpu.memory_space<vmem>>, %arg5: memref<128x128xf32, #tpu.memory_space<vmem>>, %arg6: memref<128x128xf32, #tpu.memory_space<vmem>>, %arg7: memref<128x128xf32, #tpu.memory_space<vmem>>, %arg8: memref<1x128xf32, #tpu.memory_space<vmem>>, %arg9: memref<1x128xf32, #tpu.memory_space<vmem>>, %arg10: memref<1x128xf32, #tpu.memory_space<vmem>>, %arg11: memref<1x128xf32, #tpu.memory_space<vmem>>, %arg12: memref<1x12xf32, #tpu.memory_space<vmem>>, %arg13: memref<128x12xf32, #tpu.memory_space<vmem>>, %arg14: memref<1x12xf32, #tpu.memory_space<vmem>>, %arg15: memref<400x12xf32, #tpu.memory_space<vmem>>) attributes {dimension_semantics = [#tpu.dimension_semantics<arbitrary>], iteration_bounds = array<i64: 25>, scalar_prefetch = 0 : i64, scratch_operands = 0 : i64, tpu.core_type = #tpu.core_type<tc>, window_params = [{transform_indices = @transform_0, window_bounds = array<i64: 12, 400, 128>}, {transform_indices = @transform_1, window_bounds = array<i64: 12, 400, 128>}, {transform_indices = @transform_2, window_bounds = array<i64: 400, 32>}, {pipeline_mode = #tpu.pipeline_mode<synchronous>, transform_indices = @transform_3, window_bounds = array<i64: 128, 128>}, {pipeline_mode = #tpu.pipeline_mode<synchronous>, transform_indices = @transform_4, window_bounds = array<i64: 128, 128>}, {pipeline_mode = #tpu.pipeline_mode<synchronous>, transform_indices = @transform_5, window_bounds = array<i64: 128, 128>}, {pipeline_mode = #tpu.pipeline_mode<synchronous>, transform_indices = @transform_6, window_bounds = array<i64: 128, 128>}, {pipeline_mode = #tpu.pipeline_mode<synchronous>, transform_indices = @transform_7, window_bounds = array<i64: 1, 128>}, {pipeline_mode = #tpu.pipeline_mode<synchronous>, transform_indices = @transform_8, window_bounds = array<i64: 1, 128>}, {pipeline_mode = #tpu.pipeline_mode<synchronous>, transform_indices = @transform_9, window_bounds = array<i64: 1, 128>}, {pipeline_mode = #tpu.pipeline_mode<synchronous>, transform_indices = @transform_10, window_bounds = array<i64: 1, 128>}, {pipeline_mode = #tpu.pipeline_mode<synchronous>, transform_indices = @transform_11, window_bounds = array<i64: 1, 12>}, {pipeline_mode = #tpu.pipeline_mode<synchronous>, transform_indices = @transform_12, window_bounds = array<i64: 128, 12>}, {pipeline_mode = #tpu.pipeline_mode<synchronous>, transform_indices = @transform_13, window_bounds = array<i64: 1, 12>}, {transform_indices = @transform_14, window_bounds = array<i64: 400, 12>}]} {
    %get3A = arith.constant 0 : index
    %get3A_0 = arith.constant 0 : index
    %get3A_1 = vector.load %arg3[%get3A, %get3A_0] : memref<400x32xf32, #tpu.memory_space<vmem>>, vector<400x32xf32>
    %reduce_sum3A = arith.constant dense<0.000000e+00> : vector<400xf32>
    %reduce_sum3A_2 = vector.multi_reduction <add>, %get3A_1, %reduce_sum3A [1] : vector<400x32xf32> to vector<400xf32>
    %broadcast_in_dim3A = vector.shape_cast %reduce_sum3A_2 : vector<400xf32> to vector<400x1xf32>
    %add3A = arith.constant 1.000000e+00 : f32
    %add3A_3 = vector.broadcast %add3A : f32 to vector<400x1xf32>
    %add3A_4 = arith.addf %broadcast_in_dim3A, %add3A_3 : vector<400x1xf32>
    %rsqrt3A = math.rsqrt %add3A_4 : vector<400x1xf32>
    %get3A_5 = arith.constant 0 : index
    %get3A_6 = arith.constant 0 : index
    %get3A_7 = vector.load %arg12[%get3A_5, %get3A_6] : memref<1x12xf32, #tpu.memory_space<vmem>>, vector<1x12xf32>
    %reduce_max3A = arith.constant dense<0xFF800000> : vector<1xf32>
    %reduce_max3A_8 = vector.multi_reduction <maximumf>, %get3A_7, %reduce_max3A [1] : vector<1x12xf32> to vector<1xf32>
    %broadcast_in_dim3A_9 = vector.shape_cast %reduce_max3A_8 : vector<1xf32> to vector<1x1xf32>
    %sub3A = vector.broadcast %broadcast_in_dim3A_9 : vector<1x1xf32> to vector<1x12xf32>
    %sub3A_10 = arith.subf %get3A_7, %sub3A : vector<1x12xf32>
    %exp3A = math.exp %sub3A_10 : vector<1x12xf32>
    %reduce_sum3A_11 = arith.constant dense<0.000000e+00> : vector<1xf32>
    %reduce_sum3A_12 = vector.multi_reduction <add>, %exp3A, %reduce_sum3A_11 [1] : vector<1x12xf32> to vector<1xf32>
    %broadcast_in_dim3A_13 = vector.shape_cast %reduce_sum3A_12 : vector<1xf32> to vector<1x1xf32>
    %div3A = vector.broadcast %broadcast_in_dim3A_13 : vector<1x1xf32> to vector<1x12xf32>
    %div3A_14 = arith.divf %exp3A, %div3A : vector<1x12xf32>
    %get3A_15 = arith.constant 0 : index
    %get3A_16 = arith.constant 0 : index
    %get3A_17 = vector.load %arg4[%get3A_15, %get3A_16] : memref<128x128xf32, #tpu.memory_space<vmem>>, vector<128x128xf32>
    %get3A_18 = arith.constant 0 : index
    %get3A_19 = arith.constant 0 : index
    %get3A_20 = vector.load %arg5[%get3A_18, %get3A_19] : memref<128x128xf32, #tpu.memory_space<vmem>>, vector<128x128xf32>
    %get3A_21 = arith.constant 0 : index
    %get3A_22 = arith.constant 0 : index
    %get3A_23 = vector.load %arg6[%get3A_21, %get3A_22] : memref<128x128xf32, #tpu.memory_space<vmem>>, vector<128x128xf32>
    %get3A_24 = arith.constant 0 : index
    %get3A_25 = arith.constant 0 : index
    %get3A_26 = vector.load %arg7[%get3A_24, %get3A_25] : memref<128x128xf32, #tpu.memory_space<vmem>>, vector<128x128xf32>
    %get3A_27 = arith.constant 0 : index
    %get3A_28 = arith.constant 0 : index
    %get3A_29 = vector.load %arg8[%get3A_27, %get3A_28] : memref<1x128xf32, #tpu.memory_space<vmem>>, vector<1x128xf32>
    %get3A_30 = arith.constant 0 : index
    %get3A_31 = arith.constant 0 : index
    %get3A_32 = vector.load %arg9[%get3A_30, %get3A_31] : memref<1x128xf32, #tpu.memory_space<vmem>>, vector<1x128xf32>
    %get3A_33 = arith.constant 0 : index
    %get3A_34 = arith.constant 0 : index
    %get3A_35 = vector.load %arg10[%get3A_33, %get3A_34] : memref<1x128xf32, #tpu.memory_space<vmem>>, vector<1x128xf32>
    %get3A_36 = arith.constant 0 : index
    %get3A_37 = arith.constant 0 : index
    %get3A_38 = vector.load %arg11[%get3A_36, %get3A_37] : memref<1x128xf32, #tpu.memory_space<vmem>>, vector<1x128xf32>
    %broadcast_in_dim3A_39 = arith.constant 0.000000e+00 : f32
    %broadcast_in_dim3A_40 = vector.broadcast %broadcast_in_dim3A_39 : f32 to vector<400x128xf32>
    %get3A_41 = arith.constant 0 : index
    %get3A_42 = arith.constant 0 : index
    %get3A_43 = arith.constant 0 : index
    %get3A_44 = vector.load %arg1[%get3A_41, %get3A_42, %get3A_43] : memref<12x400x128xf32, #tpu.memory_space<vmem>>, vector<1x400x128xf32>
    %get3A_45 = vector.shape_cast %get3A_44 : vector<1x400x128xf32> to vector<400x128xf32>
    %get3A_46 = arith.constant 0 : index
    %get3A_47 = arith.constant 0 : index
    %get3A_48 = arith.constant 0 : index
    %get3A_49 = vector.load %arg2[%get3A_46, %get3A_47, %get3A_48] : memref<12x400x128xf32, #tpu.memory_space<vmem>>, vector<1x400x128xf32>
    %get3A_50 = vector.shape_cast %get3A_49 : vector<1x400x128xf32> to vector<400x128xf32>
    %add3A_51 = arith.addf %get3A_45, %get3A_50 : vector<400x128xf32>
    %mul3A = vector.broadcast %rsqrt3A : vector<400x1xf32> to vector<400x128xf32>
    %mul3A_52 = arith.mulf %mul3A, %add3A_51 : vector<400x128xf32>
    %dot_general3A = arith.constant dense<0.000000e+00> : vector<400x128xf32>
    %dot_general3A_53 = tpu.matmul %mul3A_52, %get3A_17, %dot_general3A {dimension_numbers = #tpu.dot_dimension_numbers<[1], [0], [0], [1], [0, 0, 1, 1], [], []>, transpose_lhs_hint = false} : vector<400x128xf32>, vector<128x128xf32>, vector<400x128xf32> -> vector<400x128xf32>
    %add3A_54 = vector.broadcast %get3A_29 : vector<1x128xf32> to vector<400x128xf32>
    %add3A_55 = arith.addf %dot_general3A_53, %add3A_54 : vector<400x128xf32>
    %dot_general3A_56 = arith.constant dense<0.000000e+00> : vector<400x128xf32>
    %dot_general3A_57 = tpu.matmul %add3A_55, %get3A_20, %dot_general3A_56 {dimension_numbers = #tpu.dot_dimension_numbers<[1], [0], [0], [1], [0, 0, 1, 1], [], []>, transpose_lhs_hint = false} : vector<400x128xf32>, vector<128x128xf32>, vector<400x128xf32> -> vector<400x128xf32>
    %add3A_58 = vector.broadcast %get3A_32 : vector<1x128xf32> to vector<400x128xf32>
    %add3A_59 = arith.addf %dot_general3A_57, %add3A_58 : vector<400x128xf32>
    %dot_general3A_60 = arith.constant dense<0.000000e+00> : vector<400x128xf32>
    %dot_general3A_61 = tpu.matmul %mul3A_52, %get3A_23, %dot_general3A_60 {dimension_numbers = #tpu.dot_dimension_numbers<[1], [0], [0], [1], [0, 0, 1, 1], [], []>, transpose_lhs_hint = false} : vector<400x128xf32>, vector<128x128xf32>, vector<400x128xf32> -> vector<400x128xf32>
    %add3A_62 = vector.broadcast %get3A_35 : vector<1x128xf32> to vector<400x128xf32>
    %add3A_63 = arith.addf %dot_general3A_61, %add3A_62 : vector<400x128xf32>
    %dot_general3A_64 = arith.constant dense<0.000000e+00> : vector<400x128xf32>
    %dot_general3A_65 = tpu.matmul %add3A_63, %get3A_26, %dot_general3A_64 {dimension_numbers = #tpu.dot_dimension_numbers<[1], [0], [0], [1], [0, 0, 1, 1], [], []>, transpose_lhs_hint = false} : vector<400x128xf32>, vector<128x128xf32>, vector<400x128xf32> -> vector<400x128xf32>
    %add3A_66 = vector.broadcast %get3A_38 : vector<1x128xf32> to vector<400x128xf32>
    %add3A_67 = arith.addf %dot_general3A_65, %add3A_66 : vector<400x128xf32>
    %logistic3A = arith.negf %add3A_59 : vector<400x128xf32>
    %logistic3A_68 = math.exp %logistic3A : vector<400x128xf32>
    %logistic3A_69 = arith.constant 1.000000e+00 : f32
    %logistic3A_70 = vector.broadcast %logistic3A_69 : f32 to vector<400x128xf32>
    %logistic3A_71 = arith.addf %logistic3A_70, %logistic3A_68 : vector<400x128xf32>
    %logistic3A_72 = arith.divf %logistic3A_70, %logistic3A_71 : vector<400x128xf32>
    %sub3A_73 = arith.constant 1.000000e+00 : f32
    %sub3A_74 = vector.broadcast %sub3A_73 : f32 to vector<400x128xf32>
    %sub3A_75 = arith.subf %sub3A_74, %logistic3A_72 : vector<400x128xf32>
    %tanh3A = math.tanh %add3A_67 : vector<400x128xf32>
    %mul3A_76 = arith.mulf %sub3A_75, %tanh3A : vector<400x128xf32>
    %slice3A = vector.extract_strided_slice %div3A_14 {offsets = [0, 0], sizes = [1, 1], strides = [1, 1]} : vector<1x12xf32> to vector<1x1xf32>
    %squeeze3A = vector.extract %slice3A[0, 0] : f32 from vector<1x1xf32>
    %mul3A_77 = vector.broadcast %squeeze3A : f32 to vector<400x128xf32>
    %mul3A_78 = arith.mulf %mul3A_77, %mul3A_76 : vector<400x128xf32>
    %add3A_79 = arith.addf %broadcast_in_dim3A_40, %mul3A_78 : vector<400x128xf32>
    %get3A_80 = arith.constant 1 : index
    %get3A_81 = arith.constant 0 : index
    %get3A_82 = arith.constant 0 : index
    %get3A_83 = vector.load %arg1[%get3A_80, %get3A_81, %get3A_82] : memref<12x400x128xf32, #tpu.memory_space<vmem>>, vector<1x400x128xf32>
    %get3A_84 = vector.shape_cast %get3A_83 : vector<1x400x128xf32> to vector<400x128xf32>
    %get3A_85 = arith.constant 1 : index
    %get3A_86 = arith.constant 0 : index
    %get3A_87 = arith.constant 0 : index
    %get3A_88 = vector.load %arg2[%get3A_85, %get3A_86, %get3A_87] : memref<12x400x128xf32, #tpu.memory_space<vmem>>, vector<1x400x128xf32>
    %get3A_89 = vector.shape_cast %get3A_88 : vector<1x400x128xf32> to vector<400x128xf32>
    %add3A_90 = arith.addf %get3A_84, %get3A_89 : vector<400x128xf32>
    %mul3A_91 = vector.broadcast %rsqrt3A : vector<400x1xf32> to vector<400x128xf32>
    %mul3A_92 = arith.mulf %mul3A_91, %add3A_90 : vector<400x128xf32>
    %dot_general3A_93 = arith.constant dense<0.000000e+00> : vector<400x128xf32>
    %dot_general3A_94 = tpu.matmul %mul3A_92, %get3A_17, %dot_general3A_93 {dimension_numbers = #tpu.dot_dimension_numbers<[1], [0], [0], [1], [0, 0, 1, 1], [], []>, transpose_lhs_hint = false} : vector<400x128xf32>, vector<128x128xf32>, vector<400x128xf32> -> vector<400x128xf32>
    %add3A_95 = vector.broadcast %get3A_29 : vector<1x128xf32> to vector<400x128xf32>
    %add3A_96 = arith.addf %dot_general3A_94, %add3A_95 : vector<400x128xf32>
    %dot_general3A_97 = arith.constant dense<0.000000e+00> : vector<400x128xf32>
    %dot_general3A_98 = tpu.matmul %add3A_96, %get3A_20, %dot_general3A_97 {dimension_numbers = #tpu.dot_dimension_numbers<[1], [0], [0], [1], [0, 0, 1, 1], [], []>, transpose_lhs_hint = false} : vector<400x128xf32>, vector<128x128xf32>, vector<400x128xf32> -> vector<400x128xf32>
    %add3A_99 = vector.broadcast %get3A_32 : vector<1x128xf32> to vector<400x128xf32>
    %add3A_100 = arith.addf %dot_general3A_98, %add3A_99 : vector<400x128xf32>
    %dot_general3A_101 = arith.constant dense<0.000000e+00> : vector<400x128xf32>
    %dot_general3A_102 = tpu.matmul %mul3A_92, %get3A_23, %dot_general3A_101 {dimension_numbers = #tpu.dot_dimension_numbers<[1], [0], [0], [1], [0, 0, 1, 1], [], []>, transpose_lhs_hint = false} : vector<400x128xf32>, vector<128x128xf32>, vector<400x128xf32> -> vector<400x128xf32>
    %add3A_103 = vector.broadcast %get3A_35 : vector<1x128xf32> to vector<400x128xf32>
    %add3A_104 = arith.addf %dot_general3A_102, %add3A_103 : vector<400x128xf32>
    %dot_general3A_105 = arith.constant dense<0.000000e+00> : vector<400x128xf32>
    %dot_general3A_106 = tpu.matmul %add3A_104, %get3A_26, %dot_general3A_105 {dimension_numbers = #tpu.dot_dimension_numbers<[1], [0], [0], [1], [0, 0, 1, 1], [], []>, transpose_lhs_hint = false} : vector<400x128xf32>, vector<128x128xf32>, vector<400x128xf32> -> vector<400x128xf32>
    %add3A_107 = vector.broadcast %get3A_38 : vector<1x128xf32> to vector<400x128xf32>
    %add3A_108 = arith.addf %dot_general3A_106, %add3A_107 : vector<400x128xf32>
    %logistic3A_109 = arith.negf %add3A_100 : vector<400x128xf32>
    %logistic3A_110 = math.exp %logistic3A_109 : vector<400x128xf32>
    %logistic3A_111 = arith.constant 1.000000e+00 : f32
    %logistic3A_112 = vector.broadcast %logistic3A_111 : f32 to vector<400x128xf32>
    %logistic3A_113 = arith.addf %logistic3A_112, %logistic3A_110 : vector<400x128xf32>
    %logistic3A_114 = arith.divf %logistic3A_112, %logistic3A_113 : vector<400x128xf32>
    %sub3A_115 = arith.constant 1.000000e+00 : f32
    %sub3A_116 = vector.broadcast %sub3A_115 : f32 to vector<400x128xf32>
    %sub3A_117 = arith.subf %sub3A_116, %logistic3A_114 : vector<400x128xf32>
    %tanh3A_118 = math.tanh %add3A_108 : vector<400x128xf32>
    %mul3A_119 = arith.mulf %sub3A_117, %tanh3A_118 : vector<400x128xf32>
    %slice3A_120 = vector.extract_strided_slice %div3A_14 {offsets = [0, 1], sizes = [1, 1], strides = [1, 1]} : vector<1x12xf32> to vector<1x1xf32>
    %squeeze3A_121 = vector.extract %slice3A_120[0, 0] : f32 from vector<1x1xf32>
    %mul3A_122 = vector.broadcast %squeeze3A_121 : f32 to vector<400x128xf32>
    %mul3A_123 = arith.mulf %mul3A_122, %mul3A_119 : vector<400x128xf32>
    %add3A_124 = arith.addf %add3A_79, %mul3A_123 : vector<400x128xf32>
    %get3A_125 = arith.constant 2 : index
    %get3A_126 = arith.constant 0 : index
    %get3A_127 = arith.constant 0 : index
    %get3A_128 = vector.load %arg1[%get3A_125, %get3A_126, %get3A_127] : memref<12x400x128xf32, #tpu.memory_space<vmem>>, vector<1x400x128xf32>
    %get3A_129 = vector.shape_cast %get3A_128 : vector<1x400x128xf32> to vector<400x128xf32>
    %get3A_130 = arith.constant 2 : index
    %get3A_131 = arith.constant 0 : index
    %get3A_132 = arith.constant 0 : index
    %get3A_133 = vector.load %arg2[%get3A_130, %get3A_131, %get3A_132] : memref<12x400x128xf32, #tpu.memory_space<vmem>>, vector<1x400x128xf32>
    %get3A_134 = vector.shape_cast %get3A_133 : vector<1x400x128xf32> to vector<400x128xf32>
    %add3A_135 = arith.addf %get3A_129, %get3A_134 : vector<400x128xf32>
    %mul3A_136 = vector.broadcast %rsqrt3A : vector<400x1xf32> to vector<400x128xf32>
    %mul3A_137 = arith.mulf %mul3A_136, %add3A_135 : vector<400x128xf32>
    %dot_general3A_138 = arith.constant dense<0.000000e+00> : vector<400x128xf32>
    %dot_general3A_139 = tpu.matmul %mul3A_137, %get3A_17, %dot_general3A_138 {dimension_numbers = #tpu.dot_dimension_numbers<[1], [0], [0], [1], [0, 0, 1, 1], [], []>, transpose_lhs_hint = false} : vector<400x128xf32>, vector<128x128xf32>, vector<400x128xf32> -> vector<400x128xf32>
    %add3A_140 = vector.broadcast %get3A_29 : vector<1x128xf32> to vector<400x128xf32>
    %add3A_141 = arith.addf %dot_general3A_139, %add3A_140 : vector<400x128xf32>
    %dot_general3A_142 = arith.constant dense<0.000000e+00> : vector<400x128xf32>
    %dot_general3A_143 = tpu.matmul %add3A_141, %get3A_20, %dot_general3A_142 {dimension_numbers = #tpu.dot_dimension_numbers<[1], [0], [0], [1], [0, 0, 1, 1], [], []>, transpose_lhs_hint = false} : vector<400x128xf32>, vector<128x128xf32>, vector<400x128xf32> -> vector<400x128xf32>
    %add3A_144 = vector.broadcast %get3A_32 : vector<1x128xf32> to vector<400x128xf32>
    %add3A_145 = arith.addf %dot_general3A_143, %add3A_144 : vector<400x128xf32>
    %dot_general3A_146 = arith.constant dense<0.000000e+00> : vector<400x128xf32>
    %dot_general3A_147 = tpu.matmul %mul3A_137, %get3A_23, %dot_general3A_146 {dimension_numbers = #tpu.dot_dimension_numbers<[1], [0], [0], [1], [0, 0, 1, 1], [], []>, transpose_lhs_hint = false} : vector<400x128xf32>, vector<128x128xf32>, vector<400x128xf32> -> vector<400x128xf32>
    %add3A_148 = vector.broadcast %get3A_35 : vector<1x128xf32> to vector<400x128xf32>
    %add3A_149 = arith.addf %dot_general3A_147, %add3A_148 : vector<400x128xf32>
    %dot_general3A_150 = arith.constant dense<0.000000e+00> : vector<400x128xf32>
    %dot_general3A_151 = tpu.matmul %add3A_149, %get3A_26, %dot_general3A_150 {dimension_numbers = #tpu.dot_dimension_numbers<[1], [0], [0], [1], [0, 0, 1, 1], [], []>, transpose_lhs_hint = false} : vector<400x128xf32>, vector<128x128xf32>, vector<400x128xf32> -> vector<400x128xf32>
    %add3A_152 = vector.broadcast %get3A_38 : vector<1x128xf32> to vector<400x128xf32>
    %add3A_153 = arith.addf %dot_general3A_151, %add3A_152 : vector<400x128xf32>
    %logistic3A_154 = arith.negf %add3A_145 : vector<400x128xf32>
    %logistic3A_155 = math.exp %logistic3A_154 : vector<400x128xf32>
    %logistic3A_156 = arith.constant 1.000000e+00 : f32
    %logistic3A_157 = vector.broadcast %logistic3A_156 : f32 to vector<400x128xf32>
    %logistic3A_158 = arith.addf %logistic3A_157, %logistic3A_155 : vector<400x128xf32>
    %logistic3A_159 = arith.divf %logistic3A_157, %logistic3A_158 : vector<400x128xf32>
    %sub3A_160 = arith.constant 1.000000e+00 : f32
    %sub3A_161 = vector.broadcast %sub3A_160 : f32 to vector<400x128xf32>
    %sub3A_162 = arith.subf %sub3A_161, %logistic3A_159 : vector<400x128xf32>
    %tanh3A_163 = math.tanh %add3A_153 : vector<400x128xf32>
    %mul3A_164 = arith.mulf %sub3A_162, %tanh3A_163 : vector<400x128xf32>
    %slice3A_165 = vector.extract_strided_slice %div3A_14 {offsets = [0, 2], sizes = [1, 1], strides = [1, 1]} : vector<1x12xf32> to vector<1x1xf32>
    %squeeze3A_166 = vector.extract %slice3A_165[0, 0] : f32 from vector<1x1xf32>
    %mul3A_167 = vector.broadcast %squeeze3A_166 : f32 to vector<400x128xf32>
    %mul3A_168 = arith.mulf %mul3A_167, %mul3A_164 : vector<400x128xf32>
    %add3A_169 = arith.addf %add3A_124, %mul3A_168 : vector<400x128xf32>
    %get3A_170 = arith.constant 3 : index
    %get3A_171 = arith.constant 0 : index
    %get3A_172 = arith.constant 0 : index
    %get3A_173 = vector.load %arg1[%get3A_170, %get3A_171, %get3A_172] : memref<12x400x128xf32, #tpu.memory_space<vmem>>, vector<1x400x128xf32>
    %get3A_174 = vector.shape_cast %get3A_173 : vector<1x400x128xf32> to vector<400x128xf32>
    %get3A_175 = arith.constant 3 : index
    %get3A_176 = arith.constant 0 : index
    %get3A_177 = arith.constant 0 : index
    %get3A_178 = vector.load %arg2[%get3A_175, %get3A_176, %get3A_177] : memref<12x400x128xf32, #tpu.memory_space<vmem>>, vector<1x400x128xf32>
    %get3A_179 = vector.shape_cast %get3A_178 : vector<1x400x128xf32> to vector<400x128xf32>
    %add3A_180 = arith.addf %get3A_174, %get3A_179 : vector<400x128xf32>
    %mul3A_181 = vector.broadcast %rsqrt3A : vector<400x1xf32> to vector<400x128xf32>
    %mul3A_182 = arith.mulf %mul3A_181, %add3A_180 : vector<400x128xf32>
    %dot_general3A_183 = arith.constant dense<0.000000e+00> : vector<400x128xf32>
    %dot_general3A_184 = tpu.matmul %mul3A_182, %get3A_17, %dot_general3A_183 {dimension_numbers = #tpu.dot_dimension_numbers<[1], [0], [0], [1], [0, 0, 1, 1], [], []>, transpose_lhs_hint = false} : vector<400x128xf32>, vector<128x128xf32>, vector<400x128xf32> -> vector<400x128xf32>
    %add3A_185 = vector.broadcast %get3A_29 : vector<1x128xf32> to vector<400x128xf32>
    %add3A_186 = arith.addf %dot_general3A_184, %add3A_185 : vector<400x128xf32>
    %dot_general3A_187 = arith.constant dense<0.000000e+00> : vector<400x128xf32>
    %dot_general3A_188 = tpu.matmul %add3A_186, %get3A_20, %dot_general3A_187 {dimension_numbers = #tpu.dot_dimension_numbers<[1], [0], [0], [1], [0, 0, 1, 1], [], []>, transpose_lhs_hint = false} : vector<400x128xf32>, vector<128x128xf32>, vector<400x128xf32> -> vector<400x128xf32>
    %add3A_189 = vector.broadcast %get3A_32 : vector<1x128xf32> to vector<400x128xf32>
    %add3A_190 = arith.addf %dot_general3A_188, %add3A_189 : vector<400x128xf32>
    %dot_general3A_191 = arith.constant dense<0.000000e+00> : vector<400x128xf32>
    %dot_general3A_192 = tpu.matmul %mul3A_182, %get3A_23, %dot_general3A_191 {dimension_numbers = #tpu.dot_dimension_numbers<[1], [0], [0], [1], [0, 0, 1, 1], [], []>, transpose_lhs_hint = false} : vector<400x128xf32>, vector<128x128xf32>, vector<400x128xf32> -> vector<400x128xf32>
    %add3A_193 = vector.broadcast %get3A_35 : vector<1x128xf32> to vector<400x128xf32>
    %add3A_194 = arith.addf %dot_general3A_192, %add3A_193 : vector<400x128xf32>
    %dot_general3A_195 = arith.constant dense<0.000000e+00> : vector<400x128xf32>
    %dot_general3A_196 = tpu.matmul %add3A_194, %get3A_26, %dot_general3A_195 {dimension_numbers = #tpu.dot_dimension_numbers<[1], [0], [0], [1], [0, 0, 1, 1], [], []>, transpose_lhs_hint = false} : vector<400x128xf32>, vector<128x128xf32>, vector<400x128xf32> -> vector<400x128xf32>
    %add3A_197 = vector.broadcast %get3A_38 : vector<1x128xf32> to vector<400x128xf32>
    %add3A_198 = arith.addf %dot_general3A_196, %add3A_197 : vector<400x128xf32>
    %logistic3A_199 = arith.negf %add3A_190 : vector<400x128xf32>
    %logistic3A_200 = math.exp %logistic3A_199 : vector<400x128xf32>
    %logistic3A_201 = arith.constant 1.000000e+00 : f32
    %logistic3A_202 = vector.broadcast %logistic3A_201 : f32 to vector<400x128xf32>
    %logistic3A_203 = arith.addf %logistic3A_202, %logistic3A_200 : vector<400x128xf32>
    %logistic3A_204 = arith.divf %logistic3A_202, %logistic3A_203 : vector<400x128xf32>
    %sub3A_205 = arith.constant 1.000000e+00 : f32
    %sub3A_206 = vector.broadcast %sub3A_205 : f32 to vector<400x128xf32>
    %sub3A_207 = arith.subf %sub3A_206, %logistic3A_204 : vector<400x128xf32>
    %tanh3A_208 = math.tanh %add3A_198 : vector<400x128xf32>
    %mul3A_209 = arith.mulf %sub3A_207, %tanh3A_208 : vector<400x128xf32>
    %slice3A_210 = vector.extract_strided_slice %div3A_14 {offsets = [0, 3], sizes = [1, 1], strides = [1, 1]} : vector<1x12xf32> to vector<1x1xf32>
    %squeeze3A_211 = vector.extract %slice3A_210[0, 0] : f32 from vector<1x1xf32>
    %mul3A_212 = vector.broadcast %squeeze3A_211 : f32 to vector<400x128xf32>
    %mul3A_213 = arith.mulf %mul3A_212, %mul3A_209 : vector<400x128xf32>
    %add3A_214 = arith.addf %add3A_169, %mul3A_213 : vector<400x128xf32>
    %get3A_215 = arith.constant 4 : index
    %get3A_216 = arith.constant 0 : index
    %get3A_217 = arith.constant 0 : index
    %get3A_218 = vector.load %arg1[%get3A_215, %get3A_216, %get3A_217] : memref<12x400x128xf32, #tpu.memory_space<vmem>>, vector<1x400x128xf32>
    %get3A_219 = vector.shape_cast %get3A_218 : vector<1x400x128xf32> to vector<400x128xf32>
    %get3A_220 = arith.constant 4 : index
    %get3A_221 = arith.constant 0 : index
    %get3A_222 = arith.constant 0 : index
    %get3A_223 = vector.load %arg2[%get3A_220, %get3A_221, %get3A_222] : memref<12x400x128xf32, #tpu.memory_space<vmem>>, vector<1x400x128xf32>
    %get3A_224 = vector.shape_cast %get3A_223 : vector<1x400x128xf32> to vector<400x128xf32>
    %add3A_225 = arith.addf %get3A_219, %get3A_224 : vector<400x128xf32>
    %mul3A_226 = vector.broadcast %rsqrt3A : vector<400x1xf32> to vector<400x128xf32>
    %mul3A_227 = arith.mulf %mul3A_226, %add3A_225 : vector<400x128xf32>
    %dot_general3A_228 = arith.constant dense<0.000000e+00> : vector<400x128xf32>
    %dot_general3A_229 = tpu.matmul %mul3A_227, %get3A_17, %dot_general3A_228 {dimension_numbers = #tpu.dot_dimension_numbers<[1], [0], [0], [1], [0, 0, 1, 1], [], []>, transpose_lhs_hint = false} : vector<400x128xf32>, vector<128x128xf32>, vector<400x128xf32> -> vector<400x128xf32>
    %add3A_230 = vector.broadcast %get3A_29 : vector<1x128xf32> to vector<400x128xf32>
    %add3A_231 = arith.addf %dot_general3A_229, %add3A_230 : vector<400x128xf32>
    %dot_general3A_232 = arith.constant dense<0.000000e+00> : vector<400x128xf32>
    %dot_general3A_233 = tpu.matmul %add3A_231, %get3A_20, %dot_general3A_232 {dimension_numbers = #tpu.dot_dimension_numbers<[1], [0], [0], [1], [0, 0, 1, 1], [], []>, transpose_lhs_hint = false} : vector<400x128xf32>, vector<128x128xf32>, vector<400x128xf32> -> vector<400x128xf32>
    %add3A_234 = vector.broadcast %get3A_32 : vector<1x128xf32> to vector<400x128xf32>
    %add3A_235 = arith.addf %dot_general3A_233, %add3A_234 : vector<400x128xf32>
    %dot_general3A_236 = arith.constant dense<0.000000e+00> : vector<400x128xf32>
    %dot_general3A_237 = tpu.matmul %mul3A_227, %get3A_23, %dot_general3A_236 {dimension_numbers = #tpu.dot_dimension_numbers<[1], [0], [0], [1], [0, 0, 1, 1], [], []>, transpose_lhs_hint = false} : vector<400x128xf32>, vector<128x128xf32>, vector<400x128xf32> -> vector<400x128xf32>
    %add3A_238 = vector.broadcast %get3A_35 : vector<1x128xf32> to vector<400x128xf32>
    %add3A_239 = arith.addf %dot_general3A_237, %add3A_238 : vector<400x128xf32>
    %dot_general3A_240 = arith.constant dense<0.000000e+00> : vector<400x128xf32>
    %dot_general3A_241 = tpu.matmul %add3A_239, %get3A_26, %dot_general3A_240 {dimension_numbers = #tpu.dot_dimension_numbers<[1], [0], [0], [1], [0, 0, 1, 1], [], []>, transpose_lhs_hint = false} : vector<400x128xf32>, vector<128x128xf32>, vector<400x128xf32> -> vector<400x128xf32>
    %add3A_242 = vector.broadcast %get3A_38 : vector<1x128xf32> to vector<400x128xf32>
    %add3A_243 = arith.addf %dot_general3A_241, %add3A_242 : vector<400x128xf32>
    %logistic3A_244 = arith.negf %add3A_235 : vector<400x128xf32>
    %logistic3A_245 = math.exp %logistic3A_244 : vector<400x128xf32>
    %logistic3A_246 = arith.constant 1.000000e+00 : f32
    %logistic3A_247 = vector.broadcast %logistic3A_246 : f32 to vector<400x128xf32>
    %logistic3A_248 = arith.addf %logistic3A_247, %logistic3A_245 : vector<400x128xf32>
    %logistic3A_249 = arith.divf %logistic3A_247, %logistic3A_248 : vector<400x128xf32>
    %sub3A_250 = arith.constant 1.000000e+00 : f32
    %sub3A_251 = vector.broadcast %sub3A_250 : f32 to vector<400x128xf32>
    %sub3A_252 = arith.subf %sub3A_251, %logistic3A_249 : vector<400x128xf32>
    %tanh3A_253 = math.tanh %add3A_243 : vector<400x128xf32>
    %mul3A_254 = arith.mulf %sub3A_252, %tanh3A_253 : vector<400x128xf32>
    %slice3A_255 = vector.extract_strided_slice %div3A_14 {offsets = [0, 4], sizes = [1, 1], strides = [1, 1]} : vector<1x12xf32> to vector<1x1xf32>
    %squeeze3A_256 = vector.extract %slice3A_255[0, 0] : f32 from vector<1x1xf32>
    %mul3A_257 = vector.broadcast %squeeze3A_256 : f32 to vector<400x128xf32>
    %mul3A_258 = arith.mulf %mul3A_257, %mul3A_254 : vector<400x128xf32>
    %add3A_259 = arith.addf %add3A_214, %mul3A_258 : vector<400x128xf32>
    %get3A_260 = arith.constant 5 : index
    %get3A_261 = arith.constant 0 : index
    %get3A_262 = arith.constant 0 : index
    %get3A_263 = vector.load %arg1[%get3A_260, %get3A_261, %get3A_262] : memref<12x400x128xf32, #tpu.memory_space<vmem>>, vector<1x400x128xf32>
    %get3A_264 = vector.shape_cast %get3A_263 : vector<1x400x128xf32> to vector<400x128xf32>
    %get3A_265 = arith.constant 5 : index
    %get3A_266 = arith.constant 0 : index
    %get3A_267 = arith.constant 0 : index
    %get3A_268 = vector.load %arg2[%get3A_265, %get3A_266, %get3A_267] : memref<12x400x128xf32, #tpu.memory_space<vmem>>, vector<1x400x128xf32>
    %get3A_269 = vector.shape_cast %get3A_268 : vector<1x400x128xf32> to vector<400x128xf32>
    %add3A_270 = arith.addf %get3A_264, %get3A_269 : vector<400x128xf32>
    %mul3A_271 = vector.broadcast %rsqrt3A : vector<400x1xf32> to vector<400x128xf32>
    %mul3A_272 = arith.mulf %mul3A_271, %add3A_270 : vector<400x128xf32>
    %dot_general3A_273 = arith.constant dense<0.000000e+00> : vector<400x128xf32>
    %dot_general3A_274 = tpu.matmul %mul3A_272, %get3A_17, %dot_general3A_273 {dimension_numbers = #tpu.dot_dimension_numbers<[1], [0], [0], [1], [0, 0, 1, 1], [], []>, transpose_lhs_hint = false} : vector<400x128xf32>, vector<128x128xf32>, vector<400x128xf32> -> vector<400x128xf32>
    %add3A_275 = vector.broadcast %get3A_29 : vector<1x128xf32> to vector<400x128xf32>
    %add3A_276 = arith.addf %dot_general3A_274, %add3A_275 : vector<400x128xf32>
    %dot_general3A_277 = arith.constant dense<0.000000e+00> : vector<400x128xf32>
    %dot_general3A_278 = tpu.matmul %add3A_276, %get3A_20, %dot_general3A_277 {dimension_numbers = #tpu.dot_dimension_numbers<[1], [0], [0], [1], [0, 0, 1, 1], [], []>, transpose_lhs_hint = false} : vector<400x128xf32>, vector<128x128xf32>, vector<400x128xf32> -> vector<400x128xf32>
    %add3A_279 = vector.broadcast %get3A_32 : vector<1x128xf32> to vector<400x128xf32>
    %add3A_280 = arith.addf %dot_general3A_278, %add3A_279 : vector<400x128xf32>
    %dot_general3A_281 = arith.constant dense<0.000000e+00> : vector<400x128xf32>
    %dot_general3A_282 = tpu.matmul %mul3A_272, %get3A_23, %dot_general3A_281 {dimension_numbers = #tpu.dot_dimension_numbers<[1], [0], [0], [1], [0, 0, 1, 1], [], []>, transpose_lhs_hint = false} : vector<400x128xf32>, vector<128x128xf32>, vector<400x128xf32> -> vector<400x128xf32>
    %add3A_283 = vector.broadcast %get3A_35 : vector<1x128xf32> to vector<400x128xf32>
    %add3A_284 = arith.addf %dot_general3A_282, %add3A_283 : vector<400x128xf32>
    %dot_general3A_285 = arith.constant dense<0.000000e+00> : vector<400x128xf32>
    %dot_general3A_286 = tpu.matmul %add3A_284, %get3A_26, %dot_general3A_285 {dimension_numbers = #tpu.dot_dimension_numbers<[1], [0], [0], [1], [0, 0, 1, 1], [], []>, transpose_lhs_hint = false} : vector<400x128xf32>, vector<128x128xf32>, vector<400x128xf32> -> vector<400x128xf32>
    %add3A_287 = vector.broadcast %get3A_38 : vector<1x128xf32> to vector<400x128xf32>
    %add3A_288 = arith.addf %dot_general3A_286, %add3A_287 : vector<400x128xf32>
    %logistic3A_289 = arith.negf %add3A_280 : vector<400x128xf32>
    %logistic3A_290 = math.exp %logistic3A_289 : vector<400x128xf32>
    %logistic3A_291 = arith.constant 1.000000e+00 : f32
    %logistic3A_292 = vector.broadcast %logistic3A_291 : f32 to vector<400x128xf32>
    %logistic3A_293 = arith.addf %logistic3A_292, %logistic3A_290 : vector<400x128xf32>
    %logistic3A_294 = arith.divf %logistic3A_292, %logistic3A_293 : vector<400x128xf32>
    %sub3A_295 = arith.constant 1.000000e+00 : f32
    %sub3A_296 = vector.broadcast %sub3A_295 : f32 to vector<400x128xf32>
    %sub3A_297 = arith.subf %sub3A_296, %logistic3A_294 : vector<400x128xf32>
    %tanh3A_298 = math.tanh %add3A_288 : vector<400x128xf32>
    %mul3A_299 = arith.mulf %sub3A_297, %tanh3A_298 : vector<400x128xf32>
    %slice3A_300 = vector.extract_strided_slice %div3A_14 {offsets = [0, 5], sizes = [1, 1], strides = [1, 1]} : vector<1x12xf32> to vector<1x1xf32>
    %squeeze3A_301 = vector.extract %slice3A_300[0, 0] : f32 from vector<1x1xf32>
    %mul3A_302 = vector.broadcast %squeeze3A_301 : f32 to vector<400x128xf32>
    %mul3A_303 = arith.mulf %mul3A_302, %mul3A_299 : vector<400x128xf32>
    %add3A_304 = arith.addf %add3A_259, %mul3A_303 : vector<400x128xf32>
    %get3A_305 = arith.constant 6 : index
    %get3A_306 = arith.constant 0 : index
    %get3A_307 = arith.constant 0 : index
    %get3A_308 = vector.load %arg1[%get3A_305, %get3A_306, %get3A_307] : memref<12x400x128xf32, #tpu.memory_space<vmem>>, vector<1x400x128xf32>
    %get3A_309 = vector.shape_cast %get3A_308 : vector<1x400x128xf32> to vector<400x128xf32>
    %get3A_310 = arith.constant 6 : index
    %get3A_311 = arith.constant 0 : index
    %get3A_312 = arith.constant 0 : index
    %get3A_313 = vector.load %arg2[%get3A_310, %get3A_311, %get3A_312] : memref<12x400x128xf32, #tpu.memory_space<vmem>>, vector<1x400x128xf32>
    %get3A_314 = vector.shape_cast %get3A_313 : vector<1x400x128xf32> to vector<400x128xf32>
    %add3A_315 = arith.addf %get3A_309, %get3A_314 : vector<400x128xf32>
    %mul3A_316 = vector.broadcast %rsqrt3A : vector<400x1xf32> to vector<400x128xf32>
    %mul3A_317 = arith.mulf %mul3A_316, %add3A_315 : vector<400x128xf32>
    %dot_general3A_318 = arith.constant dense<0.000000e+00> : vector<400x128xf32>
    %dot_general3A_319 = tpu.matmul %mul3A_317, %get3A_17, %dot_general3A_318 {dimension_numbers = #tpu.dot_dimension_numbers<[1], [0], [0], [1], [0, 0, 1, 1], [], []>, transpose_lhs_hint = false} : vector<400x128xf32>, vector<128x128xf32>, vector<400x128xf32> -> vector<400x128xf32>
    %add3A_320 = vector.broadcast %get3A_29 : vector<1x128xf32> to vector<400x128xf32>
    %add3A_321 = arith.addf %dot_general3A_319, %add3A_320 : vector<400x128xf32>
    %dot_general3A_322 = arith.constant dense<0.000000e+00> : vector<400x128xf32>
    %dot_general3A_323 = tpu.matmul %add3A_321, %get3A_20, %dot_general3A_322 {dimension_numbers = #tpu.dot_dimension_numbers<[1], [0], [0], [1], [0, 0, 1, 1], [], []>, transpose_lhs_hint = false} : vector<400x128xf32>, vector<128x128xf32>, vector<400x128xf32> -> vector<400x128xf32>
    %add3A_324 = vector.broadcast %get3A_32 : vector<1x128xf32> to vector<400x128xf32>
    %add3A_325 = arith.addf %dot_general3A_323, %add3A_324 : vector<400x128xf32>
    %dot_general3A_326 = arith.constant dense<0.000000e+00> : vector<400x128xf32>
    %dot_general3A_327 = tpu.matmul %mul3A_317, %get3A_23, %dot_general3A_326 {dimension_numbers = #tpu.dot_dimension_numbers<[1], [0], [0], [1], [0, 0, 1, 1], [], []>, transpose_lhs_hint = false} : vector<400x128xf32>, vector<128x128xf32>, vector<400x128xf32> -> vector<400x128xf32>
    %add3A_328 = vector.broadcast %get3A_35 : vector<1x128xf32> to vector<400x128xf32>
    %add3A_329 = arith.addf %dot_general3A_327, %add3A_328 : vector<400x128xf32>
    %dot_general3A_330 = arith.constant dense<0.000000e+00> : vector<400x128xf32>
    %dot_general3A_331 = tpu.matmul %add3A_329, %get3A_26, %dot_general3A_330 {dimension_numbers = #tpu.dot_dimension_numbers<[1], [0], [0], [1], [0, 0, 1, 1], [], []>, transpose_lhs_hint = false} : vector<400x128xf32>, vector<128x128xf32>, vector<400x128xf32> -> vector<400x128xf32>
    %add3A_332 = vector.broadcast %get3A_38 : vector<1x128xf32> to vector<400x128xf32>
    %add3A_333 = arith.addf %dot_general3A_331, %add3A_332 : vector<400x128xf32>
    %logistic3A_334 = arith.negf %add3A_325 : vector<400x128xf32>
    %logistic3A_335 = math.exp %logistic3A_334 : vector<400x128xf32>
    %logistic3A_336 = arith.constant 1.000000e+00 : f32
    %logistic3A_337 = vector.broadcast %logistic3A_336 : f32 to vector<400x128xf32>
    %logistic3A_338 = arith.addf %logistic3A_337, %logistic3A_335 : vector<400x128xf32>
    %logistic3A_339 = arith.divf %logistic3A_337, %logistic3A_338 : vector<400x128xf32>
    %sub3A_340 = arith.constant 1.000000e+00 : f32
    %sub3A_341 = vector.broadcast %sub3A_340 : f32 to vector<400x128xf32>
    %sub3A_342 = arith.subf %sub3A_341, %logistic3A_339 : vector<400x128xf32>
    %tanh3A_343 = math.tanh %add3A_333 : vector<400x128xf32>
    %mul3A_344 = arith.mulf %sub3A_342, %tanh3A_343 : vector<400x128xf32>
    %slice3A_345 = vector.extract_strided_slice %div3A_14 {offsets = [0, 6], sizes = [1, 1], strides = [1, 1]} : vector<1x12xf32> to vector<1x1xf32>
    %squeeze3A_346 = vector.extract %slice3A_345[0, 0] : f32 from vector<1x1xf32>
    %mul3A_347 = vector.broadcast %squeeze3A_346 : f32 to vector<400x128xf32>
    %mul3A_348 = arith.mulf %mul3A_347, %mul3A_344 : vector<400x128xf32>
    %add3A_349 = arith.addf %add3A_304, %mul3A_348 : vector<400x128xf32>
    %get3A_350 = arith.constant 7 : index
    %get3A_351 = arith.constant 0 : index
    %get3A_352 = arith.constant 0 : index
    %get3A_353 = vector.load %arg1[%get3A_350, %get3A_351, %get3A_352] : memref<12x400x128xf32, #tpu.memory_space<vmem>>, vector<1x400x128xf32>
    %get3A_354 = vector.shape_cast %get3A_353 : vector<1x400x128xf32> to vector<400x128xf32>
    %get3A_355 = arith.constant 7 : index
    %get3A_356 = arith.constant 0 : index
    %get3A_357 = arith.constant 0 : index
    %get3A_358 = vector.load %arg2[%get3A_355, %get3A_356, %get3A_357] : memref<12x400x128xf32, #tpu.memory_space<vmem>>, vector<1x400x128xf32>
    %get3A_359 = vector.shape_cast %get3A_358 : vector<1x400x128xf32> to vector<400x128xf32>
    %add3A_360 = arith.addf %get3A_354, %get3A_359 : vector<400x128xf32>
    %mul3A_361 = vector.broadcast %rsqrt3A : vector<400x1xf32> to vector<400x128xf32>
    %mul3A_362 = arith.mulf %mul3A_361, %add3A_360 : vector<400x128xf32>
    %dot_general3A_363 = arith.constant dense<0.000000e+00> : vector<400x128xf32>
    %dot_general3A_364 = tpu.matmul %mul3A_362, %get3A_17, %dot_general3A_363 {dimension_numbers = #tpu.dot_dimension_numbers<[1], [0], [0], [1], [0, 0, 1, 1], [], []>, transpose_lhs_hint = false} : vector<400x128xf32>, vector<128x128xf32>, vector<400x128xf32> -> vector<400x128xf32>
    %add3A_365 = vector.broadcast %get3A_29 : vector<1x128xf32> to vector<400x128xf32>
    %add3A_366 = arith.addf %dot_general3A_364, %add3A_365 : vector<400x128xf32>
    %dot_general3A_367 = arith.constant dense<0.000000e+00> : vector<400x128xf32>
    %dot_general3A_368 = tpu.matmul %add3A_366, %get3A_20, %dot_general3A_367 {dimension_numbers = #tpu.dot_dimension_numbers<[1], [0], [0], [1], [0, 0, 1, 1], [], []>, transpose_lhs_hint = false} : vector<400x128xf32>, vector<128x128xf32>, vector<400x128xf32> -> vector<400x128xf32>
    %add3A_369 = vector.broadcast %get3A_32 : vector<1x128xf32> to vector<400x128xf32>
    %add3A_370 = arith.addf %dot_general3A_368, %add3A_369 : vector<400x128xf32>
    %dot_general3A_371 = arith.constant dense<0.000000e+00> : vector<400x128xf32>
    %dot_general3A_372 = tpu.matmul %mul3A_362, %get3A_23, %dot_general3A_371 {dimension_numbers = #tpu.dot_dimension_numbers<[1], [0], [0], [1], [0, 0, 1, 1], [], []>, transpose_lhs_hint = false} : vector<400x128xf32>, vector<128x128xf32>, vector<400x128xf32> -> vector<400x128xf32>
    %add3A_373 = vector.broadcast %get3A_35 : vector<1x128xf32> to vector<400x128xf32>
    %add3A_374 = arith.addf %dot_general3A_372, %add3A_373 : vector<400x128xf32>
    %dot_general3A_375 = arith.constant dense<0.000000e+00> : vector<400x128xf32>
    %dot_general3A_376 = tpu.matmul %add3A_374, %get3A_26, %dot_general3A_375 {dimension_numbers = #tpu.dot_dimension_numbers<[1], [0], [0], [1], [0, 0, 1, 1], [], []>, transpose_lhs_hint = false} : vector<400x128xf32>, vector<128x128xf32>, vector<400x128xf32> -> vector<400x128xf32>
    %add3A_377 = vector.broadcast %get3A_38 : vector<1x128xf32> to vector<400x128xf32>
    %add3A_378 = arith.addf %dot_general3A_376, %add3A_377 : vector<400x128xf32>
    %logistic3A_379 = arith.negf %add3A_370 : vector<400x128xf32>
    %logistic3A_380 = math.exp %logistic3A_379 : vector<400x128xf32>
    %logistic3A_381 = arith.constant 1.000000e+00 : f32
    %logistic3A_382 = vector.broadcast %logistic3A_381 : f32 to vector<400x128xf32>
    %logistic3A_383 = arith.addf %logistic3A_382, %logistic3A_380 : vector<400x128xf32>
    %logistic3A_384 = arith.divf %logistic3A_382, %logistic3A_383 : vector<400x128xf32>
    %sub3A_385 = arith.constant 1.000000e+00 : f32
    %sub3A_386 = vector.broadcast %sub3A_385 : f32 to vector<400x128xf32>
    %sub3A_387 = arith.subf %sub3A_386, %logistic3A_384 : vector<400x128xf32>
    %tanh3A_388 = math.tanh %add3A_378 : vector<400x128xf32>
    %mul3A_389 = arith.mulf %sub3A_387, %tanh3A_388 : vector<400x128xf32>
    %slice3A_390 = vector.extract_strided_slice %div3A_14 {offsets = [0, 7], sizes = [1, 1], strides = [1, 1]} : vector<1x12xf32> to vector<1x1xf32>
    %squeeze3A_391 = vector.extract %slice3A_390[0, 0] : f32 from vector<1x1xf32>
    %mul3A_392 = vector.broadcast %squeeze3A_391 : f32 to vector<400x128xf32>
    %mul3A_393 = arith.mulf %mul3A_392, %mul3A_389 : vector<400x128xf32>
    %add3A_394 = arith.addf %add3A_349, %mul3A_393 : vector<400x128xf32>
    %get3A_395 = arith.constant 8 : index
    %get3A_396 = arith.constant 0 : index
    %get3A_397 = arith.constant 0 : index
    %get3A_398 = vector.load %arg1[%get3A_395, %get3A_396, %get3A_397] : memref<12x400x128xf32, #tpu.memory_space<vmem>>, vector<1x400x128xf32>
    %get3A_399 = vector.shape_cast %get3A_398 : vector<1x400x128xf32> to vector<400x128xf32>
    %get3A_400 = arith.constant 8 : index
    %get3A_401 = arith.constant 0 : index
    %get3A_402 = arith.constant 0 : index
    %get3A_403 = vector.load %arg2[%get3A_400, %get3A_401, %get3A_402] : memref<12x400x128xf32, #tpu.memory_space<vmem>>, vector<1x400x128xf32>
    %get3A_404 = vector.shape_cast %get3A_403 : vector<1x400x128xf32> to vector<400x128xf32>
    %add3A_405 = arith.addf %get3A_399, %get3A_404 : vector<400x128xf32>
    %mul3A_406 = vector.broadcast %rsqrt3A : vector<400x1xf32> to vector<400x128xf32>
    %mul3A_407 = arith.mulf %mul3A_406, %add3A_405 : vector<400x128xf32>
    %dot_general3A_408 = arith.constant dense<0.000000e+00> : vector<400x128xf32>
    %dot_general3A_409 = tpu.matmul %mul3A_407, %get3A_17, %dot_general3A_408 {dimension_numbers = #tpu.dot_dimension_numbers<[1], [0], [0], [1], [0, 0, 1, 1], [], []>, transpose_lhs_hint = false} : vector<400x128xf32>, vector<128x128xf32>, vector<400x128xf32> -> vector<400x128xf32>
    %add3A_410 = vector.broadcast %get3A_29 : vector<1x128xf32> to vector<400x128xf32>
    %add3A_411 = arith.addf %dot_general3A_409, %add3A_410 : vector<400x128xf32>
    %dot_general3A_412 = arith.constant dense<0.000000e+00> : vector<400x128xf32>
    %dot_general3A_413 = tpu.matmul %add3A_411, %get3A_20, %dot_general3A_412 {dimension_numbers = #tpu.dot_dimension_numbers<[1], [0], [0], [1], [0, 0, 1, 1], [], []>, transpose_lhs_hint = false} : vector<400x128xf32>, vector<128x128xf32>, vector<400x128xf32> -> vector<400x128xf32>
    %add3A_414 = vector.broadcast %get3A_32 : vector<1x128xf32> to vector<400x128xf32>
    %add3A_415 = arith.addf %dot_general3A_413, %add3A_414 : vector<400x128xf32>
    %dot_general3A_416 = arith.constant dense<0.000000e+00> : vector<400x128xf32>
    %dot_general3A_417 = tpu.matmul %mul3A_407, %get3A_23, %dot_general3A_416 {dimension_numbers = #tpu.dot_dimension_numbers<[1], [0], [0], [1], [0, 0, 1, 1], [], []>, transpose_lhs_hint = false} : vector<400x128xf32>, vector<128x128xf32>, vector<400x128xf32> -> vector<400x128xf32>
    %add3A_418 = vector.broadcast %get3A_35 : vector<1x128xf32> to vector<400x128xf32>
    %add3A_419 = arith.addf %dot_general3A_417, %add3A_418 : vector<400x128xf32>
    %dot_general3A_420 = arith.constant dense<0.000000e+00> : vector<400x128xf32>
    %dot_general3A_421 = tpu.matmul %add3A_419, %get3A_26, %dot_general3A_420 {dimension_numbers = #tpu.dot_dimension_numbers<[1], [0], [0], [1], [0, 0, 1, 1], [], []>, transpose_lhs_hint = false} : vector<400x128xf32>, vector<128x128xf32>, vector<400x128xf32> -> vector<400x128xf32>
    %add3A_422 = vector.broadcast %get3A_38 : vector<1x128xf32> to vector<400x128xf32>
    %add3A_423 = arith.addf %dot_general3A_421, %add3A_422 : vector<400x128xf32>
    %logistic3A_424 = arith.negf %add3A_415 : vector<400x128xf32>
    %logistic3A_425 = math.exp %logistic3A_424 : vector<400x128xf32>
    %logistic3A_426 = arith.constant 1.000000e+00 : f32
    %logistic3A_427 = vector.broadcast %logistic3A_426 : f32 to vector<400x128xf32>
    %logistic3A_428 = arith.addf %logistic3A_427, %logistic3A_425 : vector<400x128xf32>
    %logistic3A_429 = arith.divf %logistic3A_427, %logistic3A_428 : vector<400x128xf32>
    %sub3A_430 = arith.constant 1.000000e+00 : f32
    %sub3A_431 = vector.broadcast %sub3A_430 : f32 to vector<400x128xf32>
    %sub3A_432 = arith.subf %sub3A_431, %logistic3A_429 : vector<400x128xf32>
    %tanh3A_433 = math.tanh %add3A_423 : vector<400x128xf32>
    %mul3A_434 = arith.mulf %sub3A_432, %tanh3A_433 : vector<400x128xf32>
    %slice3A_435 = vector.extract_strided_slice %div3A_14 {offsets = [0, 8], sizes = [1, 1], strides = [1, 1]} : vector<1x12xf32> to vector<1x1xf32>
    %squeeze3A_436 = vector.extract %slice3A_435[0, 0] : f32 from vector<1x1xf32>
    %mul3A_437 = vector.broadcast %squeeze3A_436 : f32 to vector<400x128xf32>
    %mul3A_438 = arith.mulf %mul3A_437, %mul3A_434 : vector<400x128xf32>
    %add3A_439 = arith.addf %add3A_394, %mul3A_438 : vector<400x128xf32>
    %get3A_440 = arith.constant 9 : index
    %get3A_441 = arith.constant 0 : index
    %get3A_442 = arith.constant 0 : index
    %get3A_443 = vector.load %arg1[%get3A_440, %get3A_441, %get3A_442] : memref<12x400x128xf32, #tpu.memory_space<vmem>>, vector<1x400x128xf32>
    %get3A_444 = vector.shape_cast %get3A_443 : vector<1x400x128xf32> to vector<400x128xf32>
    %get3A_445 = arith.constant 9 : index
    %get3A_446 = arith.constant 0 : index
    %get3A_447 = arith.constant 0 : index
    %get3A_448 = vector.load %arg2[%get3A_445, %get3A_446, %get3A_447] : memref<12x400x128xf32, #tpu.memory_space<vmem>>, vector<1x400x128xf32>
    %get3A_449 = vector.shape_cast %get3A_448 : vector<1x400x128xf32> to vector<400x128xf32>
    %add3A_450 = arith.addf %get3A_444, %get3A_449 : vector<400x128xf32>
    %mul3A_451 = vector.broadcast %rsqrt3A : vector<400x1xf32> to vector<400x128xf32>
    %mul3A_452 = arith.mulf %mul3A_451, %add3A_450 : vector<400x128xf32>
    %dot_general3A_453 = arith.constant dense<0.000000e+00> : vector<400x128xf32>
    %dot_general3A_454 = tpu.matmul %mul3A_452, %get3A_17, %dot_general3A_453 {dimension_numbers = #tpu.dot_dimension_numbers<[1], [0], [0], [1], [0, 0, 1, 1], [], []>, transpose_lhs_hint = false} : vector<400x128xf32>, vector<128x128xf32>, vector<400x128xf32> -> vector<400x128xf32>
    %add3A_455 = vector.broadcast %get3A_29 : vector<1x128xf32> to vector<400x128xf32>
    %add3A_456 = arith.addf %dot_general3A_454, %add3A_455 : vector<400x128xf32>
    %dot_general3A_457 = arith.constant dense<0.000000e+00> : vector<400x128xf32>
    %dot_general3A_458 = tpu.matmul %add3A_456, %get3A_20, %dot_general3A_457 {dimension_numbers = #tpu.dot_dimension_numbers<[1], [0], [0], [1], [0, 0, 1, 1], [], []>, transpose_lhs_hint = false} : vector<400x128xf32>, vector<128x128xf32>, vector<400x128xf32> -> vector<400x128xf32>
    %add3A_459 = vector.broadcast %get3A_32 : vector<1x128xf32> to vector<400x128xf32>
    %add3A_460 = arith.addf %dot_general3A_458, %add3A_459 : vector<400x128xf32>
    %dot_general3A_461 = arith.constant dense<0.000000e+00> : vector<400x128xf32>
    %dot_general3A_462 = tpu.matmul %mul3A_452, %get3A_23, %dot_general3A_461 {dimension_numbers = #tpu.dot_dimension_numbers<[1], [0], [0], [1], [0, 0, 1, 1], [], []>, transpose_lhs_hint = false} : vector<400x128xf32>, vector<128x128xf32>, vector<400x128xf32> -> vector<400x128xf32>
    %add3A_463 = vector.broadcast %get3A_35 : vector<1x128xf32> to vector<400x128xf32>
    %add3A_464 = arith.addf %dot_general3A_462, %add3A_463 : vector<400x128xf32>
    %dot_general3A_465 = arith.constant dense<0.000000e+00> : vector<400x128xf32>
    %dot_general3A_466 = tpu.matmul %add3A_464, %get3A_26, %dot_general3A_465 {dimension_numbers = #tpu.dot_dimension_numbers<[1], [0], [0], [1], [0, 0, 1, 1], [], []>, transpose_lhs_hint = false} : vector<400x128xf32>, vector<128x128xf32>, vector<400x128xf32> -> vector<400x128xf32>
    %add3A_467 = vector.broadcast %get3A_38 : vector<1x128xf32> to vector<400x128xf32>
    %add3A_468 = arith.addf %dot_general3A_466, %add3A_467 : vector<400x128xf32>
    %logistic3A_469 = arith.negf %add3A_460 : vector<400x128xf32>
    %logistic3A_470 = math.exp %logistic3A_469 : vector<400x128xf32>
    %logistic3A_471 = arith.constant 1.000000e+00 : f32
    %logistic3A_472 = vector.broadcast %logistic3A_471 : f32 to vector<400x128xf32>
    %logistic3A_473 = arith.addf %logistic3A_472, %logistic3A_470 : vector<400x128xf32>
    %logistic3A_474 = arith.divf %logistic3A_472, %logistic3A_473 : vector<400x128xf32>
    %sub3A_475 = arith.constant 1.000000e+00 : f32
    %sub3A_476 = vector.broadcast %sub3A_475 : f32 to vector<400x128xf32>
    %sub3A_477 = arith.subf %sub3A_476, %logistic3A_474 : vector<400x128xf32>
    %tanh3A_478 = math.tanh %add3A_468 : vector<400x128xf32>
    %mul3A_479 = arith.mulf %sub3A_477, %tanh3A_478 : vector<400x128xf32>
    %slice3A_480 = vector.extract_strided_slice %div3A_14 {offsets = [0, 9], sizes = [1, 1], strides = [1, 1]} : vector<1x12xf32> to vector<1x1xf32>
    %squeeze3A_481 = vector.extract %slice3A_480[0, 0] : f32 from vector<1x1xf32>
    %mul3A_482 = vector.broadcast %squeeze3A_481 : f32 to vector<400x128xf32>
    %mul3A_483 = arith.mulf %mul3A_482, %mul3A_479 : vector<400x128xf32>
    %add3A_484 = arith.addf %add3A_439, %mul3A_483 : vector<400x128xf32>
    %get3A_485 = arith.constant 10 : index
    %get3A_486 = arith.constant 0 : index
    %get3A_487 = arith.constant 0 : index
    %get3A_488 = vector.load %arg1[%get3A_485, %get3A_486, %get3A_487] : memref<12x400x128xf32, #tpu.memory_space<vmem>>, vector<1x400x128xf32>
    %get3A_489 = vector.shape_cast %get3A_488 : vector<1x400x128xf32> to vector<400x128xf32>
    %get3A_490 = arith.constant 10 : index
    %get3A_491 = arith.constant 0 : index
    %get3A_492 = arith.constant 0 : index
    %get3A_493 = vector.load %arg2[%get3A_490, %get3A_491, %get3A_492] : memref<12x400x128xf32, #tpu.memory_space<vmem>>, vector<1x400x128xf32>
    %get3A_494 = vector.shape_cast %get3A_493 : vector<1x400x128xf32> to vector<400x128xf32>
    %add3A_495 = arith.addf %get3A_489, %get3A_494 : vector<400x128xf32>
    %mul3A_496 = vector.broadcast %rsqrt3A : vector<400x1xf32> to vector<400x128xf32>
    %mul3A_497 = arith.mulf %mul3A_496, %add3A_495 : vector<400x128xf32>
    %dot_general3A_498 = arith.constant dense<0.000000e+00> : vector<400x128xf32>
    %dot_general3A_499 = tpu.matmul %mul3A_497, %get3A_17, %dot_general3A_498 {dimension_numbers = #tpu.dot_dimension_numbers<[1], [0], [0], [1], [0, 0, 1, 1], [], []>, transpose_lhs_hint = false} : vector<400x128xf32>, vector<128x128xf32>, vector<400x128xf32> -> vector<400x128xf32>
    %add3A_500 = vector.broadcast %get3A_29 : vector<1x128xf32> to vector<400x128xf32>
    %add3A_501 = arith.addf %dot_general3A_499, %add3A_500 : vector<400x128xf32>
    %dot_general3A_502 = arith.constant dense<0.000000e+00> : vector<400x128xf32>
    %dot_general3A_503 = tpu.matmul %add3A_501, %get3A_20, %dot_general3A_502 {dimension_numbers = #tpu.dot_dimension_numbers<[1], [0], [0], [1], [0, 0, 1, 1], [], []>, transpose_lhs_hint = false} : vector<400x128xf32>, vector<128x128xf32>, vector<400x128xf32> -> vector<400x128xf32>
    %add3A_504 = vector.broadcast %get3A_32 : vector<1x128xf32> to vector<400x128xf32>
    %add3A_505 = arith.addf %dot_general3A_503, %add3A_504 : vector<400x128xf32>
    %dot_general3A_506 = arith.constant dense<0.000000e+00> : vector<400x128xf32>
    %dot_general3A_507 = tpu.matmul %mul3A_497, %get3A_23, %dot_general3A_506 {dimension_numbers = #tpu.dot_dimension_numbers<[1], [0], [0], [1], [0, 0, 1, 1], [], []>, transpose_lhs_hint = false} : vector<400x128xf32>, vector<128x128xf32>, vector<400x128xf32> -> vector<400x128xf32>
    %add3A_508 = vector.broadcast %get3A_35 : vector<1x128xf32> to vector<400x128xf32>
    %add3A_509 = arith.addf %dot_general3A_507, %add3A_508 : vector<400x128xf32>
    %dot_general3A_510 = arith.constant dense<0.000000e+00> : vector<400x128xf32>
    %dot_general3A_511 = tpu.matmul %add3A_509, %get3A_26, %dot_general3A_510 {dimension_numbers = #tpu.dot_dimension_numbers<[1], [0], [0], [1], [0, 0, 1, 1], [], []>, transpose_lhs_hint = false} : vector<400x128xf32>, vector<128x128xf32>, vector<400x128xf32> -> vector<400x128xf32>
    %add3A_512 = vector.broadcast %get3A_38 : vector<1x128xf32> to vector<400x128xf32>
    %add3A_513 = arith.addf %dot_general3A_511, %add3A_512 : vector<400x128xf32>
    %logistic3A_514 = arith.negf %add3A_505 : vector<400x128xf32>
    %logistic3A_515 = math.exp %logistic3A_514 : vector<400x128xf32>
    %logistic3A_516 = arith.constant 1.000000e+00 : f32
    %logistic3A_517 = vector.broadcast %logistic3A_516 : f32 to vector<400x128xf32>
    %logistic3A_518 = arith.addf %logistic3A_517, %logistic3A_515 : vector<400x128xf32>
    %logistic3A_519 = arith.divf %logistic3A_517, %logistic3A_518 : vector<400x128xf32>
    %sub3A_520 = arith.constant 1.000000e+00 : f32
    %sub3A_521 = vector.broadcast %sub3A_520 : f32 to vector<400x128xf32>
    %sub3A_522 = arith.subf %sub3A_521, %logistic3A_519 : vector<400x128xf32>
    %tanh3A_523 = math.tanh %add3A_513 : vector<400x128xf32>
    %mul3A_524 = arith.mulf %sub3A_522, %tanh3A_523 : vector<400x128xf32>
    %slice3A_525 = vector.extract_strided_slice %div3A_14 {offsets = [0, 10], sizes = [1, 1], strides = [1, 1]} : vector<1x12xf32> to vector<1x1xf32>
    %squeeze3A_526 = vector.extract %slice3A_525[0, 0] : f32 from vector<1x1xf32>
    %mul3A_527 = vector.broadcast %squeeze3A_526 : f32 to vector<400x128xf32>
    %mul3A_528 = arith.mulf %mul3A_527, %mul3A_524 : vector<400x128xf32>
    %add3A_529 = arith.addf %add3A_484, %mul3A_528 : vector<400x128xf32>
    %get3A_530 = arith.constant 11 : index
    %get3A_531 = arith.constant 0 : index
    %get3A_532 = arith.constant 0 : index
    %get3A_533 = vector.load %arg1[%get3A_530, %get3A_531, %get3A_532] : memref<12x400x128xf32, #tpu.memory_space<vmem>>, vector<1x400x128xf32>
    %get3A_534 = vector.shape_cast %get3A_533 : vector<1x400x128xf32> to vector<400x128xf32>
    %get3A_535 = arith.constant 11 : index
    %get3A_536 = arith.constant 0 : index
    %get3A_537 = arith.constant 0 : index
    %get3A_538 = vector.load %arg2[%get3A_535, %get3A_536, %get3A_537] : memref<12x400x128xf32, #tpu.memory_space<vmem>>, vector<1x400x128xf32>
    %get3A_539 = vector.shape_cast %get3A_538 : vector<1x400x128xf32> to vector<400x128xf32>
    %add3A_540 = arith.addf %get3A_534, %get3A_539 : vector<400x128xf32>
    %mul3A_541 = vector.broadcast %rsqrt3A : vector<400x1xf32> to vector<400x128xf32>
    %mul3A_542 = arith.mulf %mul3A_541, %add3A_540 : vector<400x128xf32>
    %dot_general3A_543 = arith.constant dense<0.000000e+00> : vector<400x128xf32>
    %dot_general3A_544 = tpu.matmul %mul3A_542, %get3A_17, %dot_general3A_543 {dimension_numbers = #tpu.dot_dimension_numbers<[1], [0], [0], [1], [0, 0, 1, 1], [], []>, transpose_lhs_hint = false} : vector<400x128xf32>, vector<128x128xf32>, vector<400x128xf32> -> vector<400x128xf32>
    %add3A_545 = vector.broadcast %get3A_29 : vector<1x128xf32> to vector<400x128xf32>
    %add3A_546 = arith.addf %dot_general3A_544, %add3A_545 : vector<400x128xf32>
    %dot_general3A_547 = arith.constant dense<0.000000e+00> : vector<400x128xf32>
    %dot_general3A_548 = tpu.matmul %add3A_546, %get3A_20, %dot_general3A_547 {dimension_numbers = #tpu.dot_dimension_numbers<[1], [0], [0], [1], [0, 0, 1, 1], [], []>, transpose_lhs_hint = false} : vector<400x128xf32>, vector<128x128xf32>, vector<400x128xf32> -> vector<400x128xf32>
    %add3A_549 = vector.broadcast %get3A_32 : vector<1x128xf32> to vector<400x128xf32>
    %add3A_550 = arith.addf %dot_general3A_548, %add3A_549 : vector<400x128xf32>
    %dot_general3A_551 = arith.constant dense<0.000000e+00> : vector<400x128xf32>
    %dot_general3A_552 = tpu.matmul %mul3A_542, %get3A_23, %dot_general3A_551 {dimension_numbers = #tpu.dot_dimension_numbers<[1], [0], [0], [1], [0, 0, 1, 1], [], []>, transpose_lhs_hint = false} : vector<400x128xf32>, vector<128x128xf32>, vector<400x128xf32> -> vector<400x128xf32>
    %add3A_553 = vector.broadcast %get3A_35 : vector<1x128xf32> to vector<400x128xf32>
    %add3A_554 = arith.addf %dot_general3A_552, %add3A_553 : vector<400x128xf32>
    %dot_general3A_555 = arith.constant dense<0.000000e+00> : vector<400x128xf32>
    %dot_general3A_556 = tpu.matmul %add3A_554, %get3A_26, %dot_general3A_555 {dimension_numbers = #tpu.dot_dimension_numbers<[1], [0], [0], [1], [0, 0, 1, 1], [], []>, transpose_lhs_hint = false} : vector<400x128xf32>, vector<128x128xf32>, vector<400x128xf32> -> vector<400x128xf32>
    %add3A_557 = vector.broadcast %get3A_38 : vector<1x128xf32> to vector<400x128xf32>
    %add3A_558 = arith.addf %dot_general3A_556, %add3A_557 : vector<400x128xf32>
    %logistic3A_559 = arith.negf %add3A_550 : vector<400x128xf32>
    %logistic3A_560 = math.exp %logistic3A_559 : vector<400x128xf32>
    %logistic3A_561 = arith.constant 1.000000e+00 : f32
    %logistic3A_562 = vector.broadcast %logistic3A_561 : f32 to vector<400x128xf32>
    %logistic3A_563 = arith.addf %logistic3A_562, %logistic3A_560 : vector<400x128xf32>
    %logistic3A_564 = arith.divf %logistic3A_562, %logistic3A_563 : vector<400x128xf32>
    %sub3A_565 = arith.constant 1.000000e+00 : f32
    %sub3A_566 = vector.broadcast %sub3A_565 : f32 to vector<400x128xf32>
    %sub3A_567 = arith.subf %sub3A_566, %logistic3A_564 : vector<400x128xf32>
    %tanh3A_568 = math.tanh %add3A_558 : vector<400x128xf32>
    %mul3A_569 = arith.mulf %sub3A_567, %tanh3A_568 : vector<400x128xf32>
    %slice3A_570 = vector.extract_strided_slice %div3A_14 {offsets = [0, 11], sizes = [1, 1], strides = [1, 1]} : vector<1x12xf32> to vector<1x1xf32>
    %squeeze3A_571 = vector.extract %slice3A_570[0, 0] : f32 from vector<1x1xf32>
    %mul3A_572 = vector.broadcast %squeeze3A_571 : f32 to vector<400x128xf32>
    %mul3A_573 = arith.mulf %mul3A_572, %mul3A_569 : vector<400x128xf32>
    %add3A_574 = arith.addf %add3A_529, %mul3A_573 : vector<400x128xf32>
    %max3A = arith.constant 0.000000e+00 : f32
    %max3A_575 = vector.broadcast %max3A : f32 to vector<400x128xf32>
    %max3A_576 = arith.maximumf %add3A_574, %max3A_575 : vector<400x128xf32>
    %get3A_577 = arith.constant 0 : index
    %get3A_578 = arith.constant 0 : index
    %get3A_579 = vector.load %arg13[%get3A_577, %get3A_578] : memref<128x12xf32, #tpu.memory_space<vmem>>, vector<128x12xf32>
    %dot_general3A_580 = arith.constant dense<0.000000e+00> : vector<400x12xf32>
    %dot_general3A_581 = tpu.matmul %max3A_576, %get3A_579, %dot_general3A_580 {dimension_numbers = #tpu.dot_dimension_numbers<[1], [0], [0], [1], [0, 0, 1, 1], [], []>, transpose_lhs_hint = false} : vector<400x128xf32>, vector<128x12xf32>, vector<400x12xf32> -> vector<400x12xf32>
    %get3A_582 = arith.constant 0 : index
    %get3A_583 = arith.constant 0 : index
    %get3A_584 = vector.load %arg14[%get3A_582, %get3A_583] : memref<1x12xf32, #tpu.memory_space<vmem>>, vector<1x12xf32>
    %add3A_585 = vector.broadcast %get3A_584 : vector<1x12xf32> to vector<400x12xf32>
    %add3A_586 = arith.addf %dot_general3A_581, %add3A_585 : vector<400x12xf32>
    %swap3A = arith.constant 0 : index
    %swap3A_587 = arith.constant 0 : index
    %swap3A_588 = vector.load %arg15[%swap3A, %swap3A_587] : memref<400x12xf32, #tpu.memory_space<vmem>>, vector<400x12xf32>
    tpu.vector_store %arg15[%swap3A, %swap3A_587], %add3A_586 {strides = array<i32>} : memref<400x12xf32, #tpu.memory_space<vmem>>, vector<400x12xf32>,
    return
  }
  func.func @transform_0(%arg0: i32) -> (i32, i32, i32) {
    %c0_i32 = arith.constant 0 : i32
    %c0_i32_0 = arith.constant 0 : i32
    %c0_i32_1 = arith.constant 0 : i32
    return %c0_i32, %arg0, %c0_i32_0 : i32, i32, i32
  }
  func.func @transform_1(%arg0: i32) -> (i32, i32, i32) {
    %c0_i32 = arith.constant 0 : i32
    %c0_i32_0 = arith.constant 0 : i32
    %c0_i32_1 = arith.constant 0 : i32
    return %c0_i32, %arg0, %c0_i32_0 : i32, i32, i32
  }
  func.func @transform_2(%arg0: i32) -> (i32, i32) {
    %c0_i32 = arith.constant 0 : i32
    %c0_i32_0 = arith.constant 0 : i32
    return %arg0, %c0_i32 : i32, i32
  }
  func.func @transform_3(%arg0: i32) -> (i32, i32) {
    %c0_i32 = arith.constant 0 : i32
    %c0_i32_0 = arith.constant 0 : i32
    %c0_i32_1 = arith.constant 0 : i32
    return %c0_i32, %c0_i32_0 : i32, i32
  }
  func.func @transform_4(%arg0: i32) -> (i32, i32) {
    %c0_i32 = arith.constant 0 : i32
    %c0_i32_0 = arith.constant 0 : i32
    %c0_i32_1 = arith.constant 0 : i32
    return %c0_i32, %c0_i32_0 : i32, i32
  }
  func.func @transform_5(%arg0: i32) -> (i32, i32) {
    %c0_i32 = arith.constant 0 : i32
    %c0_i32_0 = arith.constant 0 : i32
    %c0_i32_1 = arith.constant 0 : i32
    return %c0_i32, %c0_i32_0 : i32, i32
  }
  func.func @transform_6(%arg0: i32) -> (i32, i32) {
    %c0_i32 = arith.constant 0 : i32
    %c0_i32_0 = arith.constant 0 : i32
    %c0_i32_1 = arith.constant 0 : i32
    return %c0_i32, %c0_i32_0 : i32, i32
  }
  func.func @transform_7(%arg0: i32) -> (i32, i32) {
    %c0_i32 = arith.constant 0 : i32
    %c0_i32_0 = arith.constant 0 : i32
    %c0_i32_1 = arith.constant 0 : i32
    return %c0_i32, %c0_i32_0 : i32, i32
  }
  func.func @transform_8(%arg0: i32) -> (i32, i32) {
    %c0_i32 = arith.constant 0 : i32
    %c0_i32_0 = arith.constant 0 : i32
    %c0_i32_1 = arith.constant 0 : i32
    return %c0_i32, %c0_i32_0 : i32, i32
  }
  func.func @transform_9(%arg0: i32) -> (i32, i32) {
    %c0_i32 = arith.constant 0 : i32
    %c0_i32_0 = arith.constant 0 : i32
    %c0_i32_1 = arith.constant 0 : i32
    return %c0_i32, %c0_i32_0 : i32, i32
  }
  func.func @transform_10(%arg0: i32) -> (i32, i32) {
    %c0_i32 = arith.constant 0 : i32
    %c0_i32_0 = arith.constant 0 : i32
    %c0_i32_1 = arith.constant 0 : i32
    return %c0_i32, %c0_i32_0 : i32, i32
  }
  func.func @transform_11(%arg0: i32) -> (i32, i32) {
    %c0_i32 = arith.constant 0 : i32
    %c0_i32_0 = arith.constant 0 : i32
    %c0_i32_1 = arith.constant 0 : i32
    return %c0_i32, %c0_i32_0 : i32, i32
  }
  func.func @transform_12(%arg0: i32) -> (i32, i32) {
    %c0_i32 = arith.constant 0 : i32
    %c0_i32_0 = arith.constant 0 : i32
    %c0_i32_1 = arith.constant 0 : i32
    return %c0_i32, %c0_i32_0 : i32, i32
  }
  func.func @transform_13(%arg0: i32) -> (i32, i32) {
    %c0_i32 = arith.constant 0 : i32
    %c0_i32_0 = arith.constant 0 : i32
    %c0_i32_1 = arith.constant 0 : i32
    return %c0_i32, %c0_i32_0 : i32, i32
  }
  func.func @transform_14(%arg0: i32) -> (i32, i32) {
    %c0_i32 = arith.constant 0 : i32
    %c0_i32_0 = arith.constant 0 : i32
    return %arg0, %c0_i32 : i32, i32
  }
}

</mosaic_0001>

<sc_bundles>
// kernel: kernel.6.cloned.1.call-start
scs
__scs_entry_jumppad:
0x0: {  	(pc) =	sbr.rel $0x88, $3  }
0x1: {  	(tag) =	ssettag $0x0;
	lr =	simm.s32 $0x1  }
0x2: {  	[smem:$0x3F94] =	sst lr;
	_ =	strace $0xD0000000  }
0x3: {  	_ = 	snop  }
0x4: {  	_ = 	snop  }
0x5: {  	_ = 	snop  }
0x6: {  	_ = 	snop  }
0x7: {  	_ = 	snop  }
__scs_overlays_trampoline_lowered:
0x8: {  	[smem:$0x3FA3] =	sst s0  }
0x9: {  	[smem:$0x3FA4] =	sst s1  }
0xa: {  	[smem:$0x3FA5] =	sst s2  }
0xb: {  	[smem:$0x3FA6] =	sst s3  }
0xc: {  	[smem:$0x3FA7] =	sst s4  }
0xd: {  	[smem:$0x3FA8] =	sst s5  }
0xe: {  	[smem:$0x3FA9] =	sst s6  }
0xf: {  	[smem:$0x3FAA] =	sst s7  }
0x10: {  	[smem:$0x3FAB] =	sst s8  }
0x11: {  	[smem:$0x3FAC] =	sst s9;
	s0 =	simm.s32 @!p0 $0x0  }
0x12: {  	s1 =	sld [smem:$0x3F92];
	s0 =	simm.s32 @p0 $0x1  }
0x13: {  	[smem:$0x3FAD] =	sst s0;
	s0 =	simm.s32 @!p1 $0x0  }
0x14: {  	s2 =	sld [smem:$0x3F91];
	s0 =	simm.s32 @p1 $0x1  }
0x15: {  	[smem:$0x3FAE] =	sst s0;
	s0 =	simm.s32 @!p2 $0x0  }
0x16: {  	s3 =	sld [smem:$0x3FDB];
	s0 =	simm.s32 @p2 $0x1  }
0x17: {  	s4 =	simm.s32 $0x1BF5;
	[smem:$0x3FB0] =	sst s0  }
0x18: {  	s0 =	sld [smem:$0x3F93];
	_ =	swait.ge [sflag:s4], $0x0  }
0x19: {  	s7 =	sld [smem:$0x3F94]  }
0x1a: {  	s8 =	sadd.s32 $0xFFFFE003, lr  }
0x1b: {  	s9 =	sadd.s32 $0xFFFFFEF7, lr;
	s5 =	simm.s32 $0xFFFFFFFF;
	p2 =	slt.u32 s8, $0xFFFFF086  }
0x1c: {  	p1 =	slt.u32 s9, $0xF7A;
	s5 =	simm.s32 @!p2 $0x0  }
0x1d: {  	s5 =	simm.s32 @p1 $0x1;
	p0 =	seq.s32 s7, s2  }
0x1e: {  	s7 =	smul.u32 @!p0 $0xF7A, s2;
	p2 =	seq.s32 @!p0 s5, $0x0  }
0x1f: {  	s9 =	smul.u32 $0xF7A, s1;
	s8 =	simm.s32 @!p0 $0x1BF5;
	p2 =	por !p2, p0  }
0x20: {  	[sflag:s8] =	ssyncset.s32 @!p0 $0xFFFFF086;
	s6 =	sadd.s32 @!p0 s3, s7;
	s7 =	simm.s32 @!p0 $0x108  }
0x21: {  	s3 =	sadd.s32 s3, s9;
	s6 =	sadd.s32 @!p0 $0x88, s6;
	s7 =	simm.s32 @p2 $0x1082  }
0x22: {  	[simem:s7], [sflag:s8] =	dma.local @!p0 [hbm:s6], $0xF7A  }
0x23: {  	s9 =	sor.u32 $0xD0000000, s2;
	s6 =	simm.s32 $0x108;
	_ =	swait.ge @!p0 [sflag:s8], $0x0  }
0x24: {  	s3 =	sadd.s32 $0x88, s3;
	s6 =	simm.s32 @!p1 $0x1082;
	[sflag:s4] =	ssyncset.s32 $0xFFFFF086  }
0x25: {  	[simem:s6], [sflag:s4] =	dma.local [hbm:s3], $0xF7A  }
0x26: {  	[smem:$0x3F94] =	sst s1;
	(tag) =	ssettag s2;
	_ =	strace s9  }
0x27: {  	s1 =	sld [smem:$0x3FA4]  }
0x28: {  	s2 =	sld [smem:$0x3FA5]  }
0x29: {  	s4 =	sld [smem:$0x3FA7]  }
0x2a: {  	p0 =	seq.s32 s5, $0x0;
	s5 =	sld [smem:$0x3FA8]  }
0x2b: {  	s6 =	sld [smem:$0x3FA9]  }
0x2c: {  	s7 =	sld [smem:$0x3FAA]  }
0x2d: {  	s3 =	simm.s32 $0x108;
	s8 =	sld [smem:$0x3FAB]  }
0x2e: {  	s3 =	simm.s32 @!p0 $0x1082;
	s9 =	sld [smem:$0x3FAC]  }
0x2f: {  	lr =	sadd.s32 s0, s3;
	s0 =	sld [smem:$0x3FA3]  }
0x30: {  	s3 =	sld [smem:$0x3FA6]  }
0x31: {  	[smem:$0x3FAF] =	sst s10  }
0x32: {  	s10 =	sld [smem:$0x3FAD];
	_ =	sdelay $0x3  }
0x33: {  	p0 =	seq.s32 s10, $0x1;
	s10 =	sld [smem:$0x3FAF];
	_ =	sdelay $0x3  }
0x34: {  	[smem:$0x3FAF] =	sst s10  }
0x35: {  	s10 =	sld [smem:$0x3FAE];
	_ =	sdelay $0x3  }
0x36: {  	p1 =	seq.s32 s10, $0x1;
	s10 =	sld [smem:$0x3FAF];
	_ =	sdelay $0x3  }
0x37: {  	[smem:$0x3FAF] =	sst s10  }
0x38: {  	s10 =	sld [smem:$0x3FB0]  }
0x39: {  	_ = 	snop;
	(pc) =	sbr.ind lr, $3  }
0x3a: {  	_ = 	snop  }
0x3b: {  	_ = 	snop  }
0x3c: {  	p2 =	seq.s32 s10, $0x1;
	s10 =	sld [smem:$0x3FAF]  }
0x3d: {  	_ =	shalt  }
0x3e: {  	_ =	shalt  }
0x3f: {  	_ =	shalt  }
0x40: {  	_ =	shalt  }
0x41: {  	_ =	shalt  }
0x42: {  	_ =	shalt  }
0x43: {  	_ =	shalt  }
0x44: {  	_ =	shalt  }
0x45: {  	_ =	shalt  }
0x46: {  	_ =	shalt  }
0x47: {  	_ =	shalt  }
0x48: {  	_ =	shalt  }
0x49: {  	_ =	shalt  }
0x4a: {  	_ =	shalt  }
0x4b: {  	_ =	shalt  }
0x4c: {  	_ =	shalt  }
0x4d: {  	_ =	shalt  }
0x4e: {  	_ =	shalt  }
0x4f: {  	_ =	shalt  }
0x50: {  	_ =	shalt  }
0x51: {  	_ =	shalt  }
0x52: {  	_ =	shalt  }
0x53: {  	_ =	shalt  }
0x54: {  	_ =	shalt  }
0x55: {  	_ =	shalt  }
0x56: {  	_ =	shalt  }
0x57: {  	_ =	shalt  }
0x58: {  	_ =	shalt  }
0x59: {  	_ =	shalt  }
0x5a: {  	_ =	shalt  }
0x5b: {  	_ =	shalt  }
0x5c: {  	_ =	shalt  }
0x5d: {  	_ =	shalt  }
0x5e: {  	_ =	shalt  }
0x5f: {  	_ =	shalt  }
0x60: {  	_ =	shalt  }
0x61: {  	_ =	shalt  }
0x62: {  	_ =	shalt  }
0x63: {  	_ =	shalt  }
0x64: {  	_ =	shalt  }
0x65: {  	_ =	shalt  }
0x66: {  	_ =	shalt  }
0x67: {  	_ =	shalt  }
0x68: {  	_ =	shalt  }
0x69: {  	_ =	shalt  }
0x6a: {  	_ =	shalt  }
0x6b: {  	_ =	shalt  }
0x6c: {  	_ =	shalt  }
0x6d: {  	_ =	shalt  }
0x6e: {  	_ =	shalt  }
0x6f: {  	_ =	shalt  }
0x70: {  	_ =	shalt  }
0x71: {  	_ =	shalt  }
0x72: {  	_ =	shalt  }
0x73: {  	_ =	shalt  }
0x74: {  	_ =	shalt  }
0x75: {  	_ =	shalt  }
0x76: {  	_ =	shalt  }
0x77: {  	_ =	shalt  }
0x78: {  	_ =	shalt  }
0x79: {  	_ =	shalt  }
0x7a: {  	_ =	shalt  }
0x7b: {  	_ =	shalt  }
0x7c: {  	_ =	shalt  }
0x7d: {  	_ =	shalt  }
0x7e: {  	_ =	shalt  }
0x7f: {  	_ =	shalt  }
0x80: {  	_ =	shalt  }
0x81: {  	_ =	shalt  }
0x82: {  	_ =	shalt  }
0x83: {  	_ =	shalt  }
0x84: {  	_ =	shalt  }
0x85: {  	_ =	shalt  }
0x86: {  	_ =	shalt  }
0x87: {  	_ =	shalt  }
.Lfunc_end0:
.L_simem_size_0:
called_computation_lowered:
.L_overlay_start_0:
0x88: {  	s2 =	sld [smem:$0x3FD9]  }
0x89: {  	s3 =	sld [smem:$0x3FFE];
	_ =	sdelay $0x1  }
0x8a: {  	s1 =	srdreg.scid  }
0x8b: {  	s0 =	sand.u32 $0x1, s1  }
0x8c: {  	s16 =	sshll.u32 s0, $0xA;
	s2 =	sadd.s32 s3, s2  }
0x8d: {  	s2 =	sadd.s32 s2, s16  }
0x8e: {  	[smem:$0x3FBB] =	sst s2  }
0x8f: {  	_ = 	snop  }
0x90: {  	(tm) =	ssettm $0x1  }
0x91: {  	s17 =	sld [smem:$0x3FFB];
	_ =	sdelay $0x3  }
0x92: {  	_ =	strace s17  }
0x93: {  	s2 =	sld [smem:$0x3FFC];
	_ =	sdelay $0x3  }
0x94: {  	_ =	strace s2  }
0x95: {  	s2 =	sld [smem:$0x3FFD];
	_ =	sdelay $0x3  }
0x96: {  	_ =	strace s2  }
0x97: {  	_ =	strace $0x8FFFFFFF  }
0x98: {  	s18 =	sld [smem:$0x3FDB];
	_ =	sdelay $0x1  }
0x99: {  	s19 =	simm.s32 $_scs_section_size  }
0x9a: {  	s4 =	simm.s32 $_size__tile_overlayer_lowered;
	s5 =	simm.s32 $_tile_overlayer_lowered  }
0x9b: {  	s22 =	simm.s32 $0x1BFF;
	s21 =	sshll.u32 s5, $0x1;
	s2 =	sadd.s32 s19, s18  }
0x9c: {  	s6 =	simm.s32 $0x0;
	s20 =	sshll.u32 s4, $0x1;
	s4 =	sadd.s32 s21, s2  }
0x9d: {  	[timem:s6], [sflag:s22] =	dma.local [hbm:s4], s20  }
0x9e: {  	_ =	swait.ge [sflag:s22], s20  }
0x9f: {  	s3 =	ssub.s32 $0x0, s20;
	[sflag:s22] =	ssyncset.done $0x0  }
0xa0: {  	[sflag:s22] =	ssyncadd.s32 s3;
	_ =	sdelay $0x1  }
0xa1: {  	s23 =	simm.s32 $0x1B8B  }
0xa2: {  	_ =	swait.ge [sflag:s23], $0x1  }
0xa3: {  	[sflag:s23] =	ssyncset.done $0x0  }
0xa4: {  	s25 =	simm.s32 $0x1B8E;
	s24 =	sld [smem:$0x3FFE];
	[sflag:s23] =	ssyncadd.s32 $0xFFFFFFFF  }
0xa5: {  	s26 =	simm.s32 $execute0_lowered;
	[smem:$0x3FD2] =	sst s25  }
0xa6: {  	s4 =	sshll.u32 s26, $0x1;
	_ =	strace $0x80000046;
	[dreg:$0x1] =	wrdreg $0xFFFFFFFF  }
0xa7: {  	s28 =	simm.s32 $_size_execute0_lowered;
	s2 =	sadd.s32 s2, s4;
	[dreg:$0x0] =	wrdreg $0x0  }
0xa8: {  	s4 =	sshll.u32 s28, $0x1;
	[dreg:$0x2] =	wrdreg s2  }
0xa9: {  	[dreg:$0x3] =	wrdreg s4  }
0xaa: {  	[dreg:$0x4] =	wrdreg $0xC0  }
0xab: {  	_ =	task [dreg:s6], $0x5FFFF  }
0xac: {  	[dreg:$0x1] =	wrdreg $0xFFFFFFFF  }
0xad: {  	[dreg:$0x0] =	wrdreg $0x60  }
0xae: {  	[dreg:$0x2] =	wrdreg s24  }
0xaf: {  	[dreg:$0x3] =	wrdreg $0x9  }
0xb0: {  	_ =	task.clear_ibuf [dreg:s6], $0x4FFFF;
	_ =	strace $0x90000046  }
0xb1: {  	s29 =	simm.s32 $0x9;
	_ =	strace $0x80000048  }
0xb2: {  	_ =	swait.ge [sflag:s29], $0x1  }
0xb3: {  	[sflag:s29] =	ssyncadd.s32 $0xFFFFFFFF  }
0xb4: {  	_ =	strace $0x90000048  }
0xb5: {  	_ =	sfence  }
0xb6: {  	s30 =	sld [smem:$0x0];
	_ =	sdelay $0x2  }
0xb7: {  	s31 =	sshll.u32 s1, $0xD;
	s1 =	sshrl.u32 s1, $0x2  }
0xb8: {  	s3 =	sand.u32 $0x4000, s31;
	s1 =	sadd.s32 s1, s30  }
0xb9: {  	s0 =	sor.u32 s3, s0;
	s1 =	sshll.u32 s1, $0x11  }
0xba: {  	s0 =	sor.u32 s1, s0  }
0xbb: {  	s0 =	sadd.s32 $0x8F2B, s0  }
0xbc: {  	[sflag:s0] =	ssyncadd.remote.s32 $0x1  }
0xbd: {  	_ =	sfence.sel $0xFFFF  }
0xbe: {  	[dreg:$0x0] =	wrdreg $0xFFFFFFFF;
	(pc) =	sbr.abs _section_cstart, $3  }
0xbf: {  	[dreg:$0x1] =	wrdreg $0xFFFFFFFF  }
0xc0: {  	_ =	task.clear_ibuf [dreg:s6], $0x2FFFF;
	_ =	strace $0x9FFFFFFF  }
0xc1: {  	(tm) =	ssettm $0x7FFFFFFF  }
tec
execute0_lowered:
.L_overlay_start_1:
0x0: {  	(tag) =	ssettag $0x1  }
0x1: {  	s0 =	srdreg.scid  }
0x2: {  	s4 =	rddreg [dreg:$0x0];
	s3 =	sand.u32 $0x1, s0  }
0x3: {  	s1 =	stileid.u32;
	s7 =	simm.s32 $0x1;
	s2 =	sshll.u32 s3, $0x4  }
0x4: {  	s0 =	rddreg [dreg:$0x1];
	s3 =	ssub.s32 $0x2, s3;
	s5 =	sor.u32 s1, s2  }
0x5: {  	s2 =	simm.s32 $0x0;
	s6 =	sshrl.u32 s3, $0x1;
	s5 =	smul.u32 $0x4E2, s5  }
0x6: {  	s8 =	simm.s32 $0x0;
	[smem:$0x7FF] =	sst s2;
	s31 =	ssub.s32 s3, s6  }
0x7: {  	s6 =	simm.s32 $0x2710;
	_ =	strace $0x80000047;
	s4 =	sadd.s32 s5, s4  }
0x8: {  	v0 =	vimm.f32 $0.0e+00;
	v1 =	vimm.f32 $1.000000000e+00;
	s5 =	smax.u32 s31, $0x1;
	s3 =	sadd.s32 $0xB400, s4;
	s4 =	sadd.s32 $0x15200, s4  }
.LBB2_1:
0x9: {  	s9 =	simm.s32 $0x40;
	s10 =	simm.s32 $0x0  }
.LBB2_2:
0xa: {  	p0 =	sne.s32 s9, $0x9C00;
	[tilespmem:s10+$0x0] =	vst v0;
	s10 =	smov.u32 s9;
	s9 =	sadd.s32 $0x40, s9  }
.Ltmp0:
0xb: {  	(pc) =	sbr.rel @p0 .LBB2_2-.Ltmp0, $2  }
0xc: {  	_ =	sdelay $0x2  }
0xd: {  	s10 =	sshra.s32 s10, $0x2  }
0xe: {  	[tilespmem:s10+$0x0] =	vst v0;
	s9 =	simm.s32 $0x0  }
0xf: {  	[tilespmem:s6], [sflag:$0x1] =	stream.linear.gather [hbm4b:s3+s9], $0x2710, $0x38;
	[tilespmem:$0x4E20] =	vst v63  }
0x10: {  	_ =	swait.ge [sflag:s7], $0x2710  }
0x11: {  	[sflag:s7] =	ssyncset.done $0x0  }
0x12: {  	s10 =	simm.s32 $0x0;
	s9 =	simm.s32 $0x40;
	[sflag:s7] =	ssyncadd.s32 $0xFFFFD8F0  }
.LBB2_4:
0x13: {  	p0 =	sne.s32 s9, $0x9C00;
	v2 =	vld [tilespmem:s10+$0x2710];
	_ =	sdelay $0x3  }
.Ltmp1:
0x14: {  	(pc) =	sbr.rel @p0 .LBB2_4-.Ltmp1, $2  }
0x15: {  	_ =	sdelay $0x2  }
0x16: {  	s10 =	sshra.s32 s9, $0x2;
	s9 =	sadd.s32 $0x40, s9;
	[tilespmem:v2+s2+$0x0] =	vst.idx.add.f32.msk $0xffff, v1  }
0x17: {  	v2 =	vld [tilespmem:s10+$0x2710];
	_ =	sdelay $0x5  }
0x18: {  	s8 =	sadd.s32 $0x1, s8  }
0x19: {  	p0 =	sne.s32 s8, s5  }
.Ltmp2:
0x1a: {  	[tilespmem:v2+s2+$0x0] =	vst.idx.add.f32.msk $0xffff, v1;
	(pc) =	sbr.rel @p0 .LBB2_1-.Ltmp2, $4  }
0x1b: {  	[hbm4b:s4+s2] =	stream.linear.scatter [tilespmem:s2], [sflag:$0x1], $0x2710, $0x38;
	[tilespmem:$0x4E20] =	vst v63  }
0x1c: {  	_ =	swait.ge [sflag:s7], $0x2710  }
0x1d: {  	[sflag:s7] =	ssyncset.done $0x0  }
0x1e: {  	[sflag:s7] =	ssyncadd.s32 $0xFFFFD8F0  }
0x1f: {  	_ =	sfence.sel $0x180000  }
0x20: {  	[bflag:$0x0] =	sbarrier.arrive $0xFFFF  }
0x21: {  	p0 =	sne.s32 s1, $0x0;
	_ =	strace $0x90000047  }
0x22: {  	s0 =	sadd.s32 @!p0 $0x100000, s0;
	[bflag:$0x2] =	sbarrier.arrive $0xFFFF  }
0x23: {  	[sflag:s0] =	ssyncadd.tile.s32 @!p0 $0x1;
	_ =	shalt  }
.Lfunc_end2:
_tile_overlayer_lowered:
.L_overlay_start_2:
0x24: {  	(tag) =	ssettag $0x2  }
0x25: {  	s0 =	rddreg [dreg:$0x0];
	s2 =	stileid.u32  }
0x26: {  	s1 =	rddreg [dreg:$0x1];
	p0 =	sne.s32 s2, $0x0  }
0x27: {  	s3 =	rddreg [dreg:$0x2];
	[bflag:$0x3] =	sbarrier.arrive $0xFFFF;
	s2 =	simm.s32 @!p0 $0x1C01  }
0x28: {  	[timem:s3], [sflag:s2] =	dma.local @!p0 [hbm:s0], s1  }
0x29: {  	s0 =	simm.s32 @!p0 $0x1  }
0x2a: {  	_ =	swait.ge @!p0 [sflag:s0], s1  }
0x2b: {  	s1 =	ssub.s32 @!p0 $0x0, s1;
	[sflag:s0] =	ssyncset.done @!p0 $0x0  }
0x2c: {  	[sflag:s0] =	ssyncadd.s32 @!p0 s1  }
0x2d: {  	[bflag:$0x3] =	sbarrier.arrive $0xFFFF  }
0x2e: {  	_ =	shalt  }

// kernel: kernel.9.cloned.1.call-start
scs
__scs_entry_jumppad:
0x0: {  	(pc) =	sbr.rel $0x88, $3  }
0x1: {  	(tag) =	ssettag $0x0;
	lr =	simm.s32 $0x1  }
0x2: {  	[smem:$0x3F94] =	sst lr;
	_ =	strace $0xD0000000  }
0x3: {  	_ = 	snop  }
0x4: {  	_ = 	snop  }
0x5: {  	_ = 	snop  }
0x6: {  	_ = 	snop  }
0x7: {  	_ = 	snop  }
__scs_overlays_trampoline_lowered:
0x8: {  	[smem:$0x3FA3] =	sst s0  }
0x9: {  	[smem:$0x3FA4] =	sst s1  }
0xa: {  	[smem:$0x3FA5] =	sst s2  }
0xb: {  	[smem:$0x3FA6] =	sst s3  }
0xc: {  	[smem:$0x3FA7] =	sst s4  }
0xd: {  	[smem:$0x3FA8] =	sst s5  }
0xe: {  	[smem:$0x3FA9] =	sst s6  }
0xf: {  	[smem:$0x3FAA] =	sst s7  }
0x10: {  	[smem:$0x3FAB] =	sst s8  }
0x11: {  	[smem:$0x3FAC] =	sst s9;
	s0 =	simm.s32 @!p0 $0x0  }
0x12: {  	s1 =	sld [smem:$0x3F92];
	s0 =	simm.s32 @p0 $0x1  }
0x13: {  	[smem:$0x3FAD] =	sst s0;
	s0 =	simm.s32 @!p1 $0x0  }
0x14: {  	s2 =	sld [smem:$0x3F91];
	s0 =	simm.s32 @p1 $0x1  }
0x15: {  	[smem:$0x3FAE] =	sst s0;
	s0 =	simm.s32 @!p2 $0x0  }
0x16: {  	s3 =	sld [smem:$0x3FDB];
	s0 =	simm.s32 @p2 $0x1  }
0x17: {  	s4 =	simm.s32 $0x1BF5;
	[smem:$0x3FB0] =	sst s0  }
0x18: {  	s0 =	sld [smem:$0x3F93];
	_ =	swait.ge [sflag:s4], $0x0  }
0x19: {  	s7 =	sld [smem:$0x3F94]  }
0x1a: {  	s8 =	sadd.s32 $0xFFFFE003, lr  }
0x1b: {  	s9 =	sadd.s32 $0xFFFFFEF7, lr;
	s5 =	simm.s32 $0xFFFFFFFF;
	p2 =	slt.u32 s8, $0xFFFFF086  }
0x1c: {  	p1 =	slt.u32 s9, $0xF7A;
	s5 =	simm.s32 @!p2 $0x0  }
0x1d: {  	s5 =	simm.s32 @p1 $0x1;
	p0 =	seq.s32 s7, s2  }
0x1e: {  	s7 =	smul.u32 @!p0 $0xF7A, s2;
	p2 =	seq.s32 @!p0 s5, $0x0  }
0x1f: {  	s9 =	smul.u32 $0xF7A, s1;
	s8 =	simm.s32 @!p0 $0x1BF5;
	p2 =	por !p2, p0  }
0x20: {  	[sflag:s8] =	ssyncset.s32 @!p0 $0xFFFFF086;
	s6 =	sadd.s32 @!p0 s3, s7;
	s7 =	simm.s32 @!p0 $0x108  }
0x21: {  	s3 =	sadd.s32 s3, s9;
	s6 =	sadd.s32 @!p0 $0x88, s6;
	s7 =	simm.s32 @p2 $0x1082  }
0x22: {  	[simem:s7], [sflag:s8] =	dma.local @!p0 [hbm:s6], $0xF7A  }
0x23: {  	s9 =	sor.u32 $0xD0000000, s2;
	s6 =	simm.s32 $0x108;
	_ =	swait.ge @!p0 [sflag:s8], $0x0  }
0x24: {  	s3 =	sadd.s32 $0x88, s3;
	s6 =	simm.s32 @!p1 $0x1082;
	[sflag:s4] =	ssyncset.s32 $0xFFFFF086  }
0x25: {  	[simem:s6], [sflag:s4] =	dma.local [hbm:s3], $0xF7A  }
0x26: {  	[smem:$0x3F94] =	sst s1;
	(tag) =	ssettag s2;
	_ =	strace s9  }
0x27: {  	s1 =	sld [smem:$0x3FA4]  }
0x28: {  	s2 =	sld [smem:$0x3FA5]  }
0x29: {  	s4 =	sld [smem:$0x3FA7]  }
0x2a: {  	p0 =	seq.s32 s5, $0x0;
	s5 =	sld [smem:$0x3FA8]  }
0x2b: {  	s6 =	sld [smem:$0x3FA9]  }
0x2c: {  	s7 =	sld [smem:$0x3FAA]  }
0x2d: {  	s3 =	simm.s32 $0x108;
	s8 =	sld [smem:$0x3FAB]  }
0x2e: {  	s3 =	simm.s32 @!p0 $0x1082;
	s9 =	sld [smem:$0x3FAC]  }
0x2f: {  	lr =	sadd.s32 s0, s3;
	s0 =	sld [smem:$0x3FA3]  }
0x30: {  	s3 =	sld [smem:$0x3FA6]  }
0x31: {  	[smem:$0x3FAF] =	sst s10  }
0x32: {  	s10 =	sld [smem:$0x3FAD];
	_ =	sdelay $0x3  }
0x33: {  	p0 =	seq.s32 s10, $0x1;
	s10 =	sld [smem:$0x3FAF];
	_ =	sdelay $0x3  }
0x34: {  	[smem:$0x3FAF] =	sst s10  }
0x35: {  	s10 =	sld [smem:$0x3FAE];
	_ =	sdelay $0x3  }
0x36: {  	p1 =	seq.s32 s10, $0x1;
	s10 =	sld [smem:$0x3FAF];
	_ =	sdelay $0x3  }
0x37: {  	[smem:$0x3FAF] =	sst s10  }
0x38: {  	s10 =	sld [smem:$0x3FB0]  }
0x39: {  	_ = 	snop;
	(pc) =	sbr.ind lr, $3  }
0x3a: {  	_ = 	snop  }
0x3b: {  	_ = 	snop  }
0x3c: {  	p2 =	seq.s32 s10, $0x1;
	s10 =	sld [smem:$0x3FAF]  }
0x3d: {  	_ =	shalt  }
0x3e: {  	_ =	shalt  }
0x3f: {  	_ =	shalt  }
0x40: {  	_ =	shalt  }
0x41: {  	_ =	shalt  }
0x42: {  	_ =	shalt  }
0x43: {  	_ =	shalt  }
0x44: {  	_ =	shalt  }
0x45: {  	_ =	shalt  }
0x46: {  	_ =	shalt  }
0x47: {  	_ =	shalt  }
0x48: {  	_ =	shalt  }
0x49: {  	_ =	shalt  }
0x4a: {  	_ =	shalt  }
0x4b: {  	_ =	shalt  }
0x4c: {  	_ =	shalt  }
0x4d: {  	_ =	shalt  }
0x4e: {  	_ =	shalt  }
0x4f: {  	_ =	shalt  }
0x50: {  	_ =	shalt  }
0x51: {  	_ =	shalt  }
0x52: {  	_ =	shalt  }
0x53: {  	_ =	shalt  }
0x54: {  	_ =	shalt  }
0x55: {  	_ =	shalt  }
0x56: {  	_ =	shalt  }
0x57: {  	_ =	shalt  }
0x58: {  	_ =	shalt  }
0x59: {  	_ =	shalt  }
0x5a: {  	_ =	shalt  }
0x5b: {  	_ =	shalt  }
0x5c: {  	_ =	shalt  }
0x5d: {  	_ =	shalt  }
0x5e: {  	_ =	shalt  }
0x5f: {  	_ =	shalt  }
0x60: {  	_ =	shalt  }
0x61: {  	_ =	shalt  }
0x62: {  	_ =	shalt  }
0x63: {  	_ =	shalt  }
0x64: {  	_ =	shalt  }
0x65: {  	_ =	shalt  }
0x66: {  	_ =	shalt  }
0x67: {  	_ =	shalt  }
0x68: {  	_ =	shalt  }
0x69: {  	_ =	shalt  }
0x6a: {  	_ =	shalt  }
0x6b: {  	_ =	shalt  }
0x6c: {  	_ =	shalt  }
0x6d: {  	_ =	shalt  }
0x6e: {  	_ =	shalt  }
0x6f: {  	_ =	shalt  }
0x70: {  	_ =	shalt  }
0x71: {  	_ =	shalt  }
0x72: {  	_ =	shalt  }
0x73: {  	_ =	shalt  }
0x74: {  	_ =	shalt  }
0x75: {  	_ =	shalt  }
0x76: {  	_ =	shalt  }
0x77: {  	_ =	shalt  }
0x78: {  	_ =	shalt  }
0x79: {  	_ =	shalt  }
0x7a: {  	_ =	shalt  }
0x7b: {  	_ =	shalt  }
0x7c: {  	_ =	shalt  }
0x7d: {  	_ =	shalt  }
0x7e: {  	_ =	shalt  }
0x7f: {  	_ =	shalt  }
0x80: {  	_ =	shalt  }
0x81: {  	_ =	shalt  }
0x82: {  	_ =	shalt  }
0x83: {  	_ =	shalt  }
0x84: {  	_ =	shalt  }
0x85: {  	_ =	shalt  }
0x86: {  	_ =	shalt  }
0x87: {  	_ =	shalt  }
.Lfunc_end0:
.L_simem_size_0:
called_computation.1_lowered:
.L_overlay_start_0:
0x88: {  	s2 =	sld [smem:$0x3FD9]  }
0x89: {  	s3 =	sld [smem:$0x3FFE];
	_ =	sdelay $0x1  }
0x8a: {  	s1 =	srdreg.scid  }
0x8b: {  	s0 =	sand.u32 $0x1, s1  }
0x8c: {  	s17 =	sshll.u32 s0, $0xA;
	s2 =	sadd.s32 s3, s2  }
0x8d: {  	s2 =	sadd.s32 s2, s17  }
0x8e: {  	[smem:$0x3FBB] =	sst s2  }
0x8f: {  	_ = 	snop  }
0x90: {  	s2 =	sld [smem:$0x3FD0];
	(tm) =	ssettm $0x1  }
0x91: {  	s18 =	sld [smem:$0x3FFB];
	_ =	sdelay $0x3  }
0x92: {  	_ =	strace s18  }
0x93: {  	s3 =	sld [smem:$0x3FFC];
	_ =	sdelay $0x3  }
0x94: {  	_ =	strace s3  }
0x95: {  	s3 =	sld [smem:$0x3FFD];
	_ =	sdelay $0x3  }
0x96: {  	_ =	strace s3  }
0x97: {  	_ =	strace $0x8FFFFFFF  }
0x98: {  	s19 =	sld [smem:$0x3FDB];
	_ =	sdelay $0x1  }
0x99: {  	s4 =	simm.s32 $_scs_section_size  }
0x9a: {  	s5 =	simm.s32 $_size__tile_overlayer_lowered;
	s6 =	simm.s32 $_tile_overlayer_lowered  }
0x9b: {  	s22 =	simm.s32 $0x1BFF;
	s21 =	sshll.u32 s6, $0x1;
	s3 =	sadd.s32 s4, s19  }
0x9c: {  	s7 =	simm.s32 $0x0;
	s20 =	sshll.u32 s5, $0x1;
	s5 =	sadd.s32 s21, s3  }
0x9d: {  	[timem:s7], [sflag:s22] =	dma.local [hbm:s5], s20  }
0x9e: {  	_ =	swait.ge [sflag:s22], s20  }
0x9f: {  	s4 =	ssub.s32 $0x0, s20;
	[sflag:s22] =	ssyncset.done $0x0  }
0xa0: {  	[sflag:s22] =	ssyncadd.s32 s4;
	_ =	sdelay $0x1  }
0xa1: {  	s23 =	simm.s32 $0x1B8B  }
0xa2: {  	_ =	swait.ge [sflag:s23], $0x1  }
0xa3: {  	[sflag:s23] =	ssyncset.done $0x0  }
0xa4: {  	s25 =	simm.s32 $0x1B8E;
	s24 =	sld [smem:$0x3FFE];
	[sflag:s23] =	ssyncadd.s32 $0xFFFFFFFF  }
0xa5: {  	s26 =	simm.s32 $execute0_lowered;
	[smem:$0x3FD2] =	sst s25  }
0xa6: {  	s5 =	sshll.u32 s26, $0x1;
	_ =	strace $0x80000049;
	[dreg:$0x1] =	wrdreg $0xFFFFFFFF  }
0xa7: {  	s28 =	simm.s32 $_size_execute0_lowered;
	s3 =	sadd.s32 s3, s5;
	[dreg:$0x0] =	wrdreg $0x0  }
0xa8: {  	s5 =	sshll.u32 s28, $0x1;
	[dreg:$0x2] =	wrdreg s3  }
0xa9: {  	[dreg:$0x3] =	wrdreg s5  }
0xaa: {  	[dreg:$0x4] =	wrdreg $0xC0  }
0xab: {  	_ =	task [dreg:s7], $0x5FFFF  }
0xac: {  	[dreg:$0x1] =	wrdreg $0xFFFFFFFF  }
0xad: {  	[dreg:$0x0] =	wrdreg $0x60  }
0xae: {  	[dreg:$0x2] =	wrdreg s24  }
0xaf: {  	[dreg:$0x3] =	wrdreg s2  }
0xb0: {  	[dreg:$0x4] =	wrdreg $0x0  }
0xb1: {  	[dreg:$0x5] =	wrdreg $0x9  }
0xb2: {  	_ =	task.clear_ibuf [dreg:s7], $0x6FFFF;
	_ =	strace $0x90000049  }
0xb3: {  	s29 =	simm.s32 $0x9;
	_ =	strace $0x8000004B  }
0xb4: {  	_ =	swait.ge [sflag:s29], $0x1  }
0xb5: {  	[sflag:s29] =	ssyncadd.s32 $0xFFFFFFFF  }
0xb6: {  	_ =	strace $0x9000004B  }
0xb7: {  	_ =	sfence  }
0xb8: {  	s30 =	sld [smem:$0x0];
	_ =	sdelay $0x2  }
0xb9: {  	s31 =	sshll.u32 s1, $0xD;
	s1 =	sshrl.u32 s1, $0x2  }
0xba: {  	s3 =	sand.u32 $0x4000, s31;
	s1 =	sadd.s32 s1, s30  }
0xbb: {  	s0 =	sor.u32 s3, s0;
	s1 =	sshll.u32 s1, $0x11  }
0xbc: {  	s0 =	sor.u32 s1, s0  }
0xbd: {  	s0 =	sadd.s32 $0x8F2B, s0  }
0xbe: {  	[sflag:s0] =	ssyncadd.remote.s32 $0x1  }
0xbf: {  	_ =	sfence.sel $0xFFFF  }
0xc0: {  	[dreg:$0x0] =	wrdreg $0xFFFFFFFF;
	(pc) =	sbr.abs _section_cstart, $3  }
0xc1: {  	[dreg:$0x1] =	wrdreg $0xFFFFFFFF  }
0xc2: {  	_ =	task.clear_ibuf [dreg:s7], $0x2FFFF;
	_ =	strace $0x9FFFFFFF  }
0xc3: {  	(tm) =	ssettm $0x7FFFFFFF  }
tec
execute0_lowered:
.L_overlay_start_1:
0x0: {  	(tag) =	ssettag $0x1  }
0x1: {  	s0 =	rddreg [dreg:$0x0]  }
0x2: {  	s2 =	rddreg [dreg:$0x2]  }
0x3: {  	s1 =	simm.s32 $0x0;
	s4 =	srdreg.scid;
	s3 =	stileid.u32  }
0x4: {  	s17 =	simm.s32 $0x3;
	s18 =	simm.s32 $0x18880;
	s19 =	simm.s32 $0x1A7C0  }
0x5: {  	s20 =	simm.s32 $0x50;
	s21 =	simm.s32 $0x13880;
	s22 =	simm.s32 $0x16080  }
0x6: {  	s23 =	simm.s32 $0x1;
	s24 =	simm.s32 $0x2;
	[smem:$0x7FF] =	sst s1  }
0x7: {  	s5 =	sadd.s32 $0x15200, s0;
	s6 =	sadd.s32 $0x1600, s0;
	s11 =	smul.u32 $0x4E200, s3  }
0x8: {  	s4 =	sand.u32 $0x1, s4;
	s8 =	sadd.s32 $0xB400, s0;
	s14 =	smul.u32 $0x9C4, s3  }
0x9: {  	s9 =	sadd.s32 $0x1E9E00, s0;
	s31 =	sshll.u32 s3, $0x6;
	s12 =	smul.u32 $0xFA, s3  }
.Ltmp0:
0xa: {  	_ =	strace $0x8000004A;
	s10 =	ssub.s32 $0x2, s4;
	(pc) =	sbr.rel .LBB2_1-.Ltmp0, $4  }
0xb: {  	s7 =	smul.u32 $0x6, s4;
	s28 =	sshrl.u32 s10, $0x1;
	s30 =	sshrl.u32 s11, $0x2  }
0xc: {  	s11 =	sor.u32 $0x1C03, s31;
	s13 =	sadd.s32 s6, s14;
	s29 =	ssub.s32 s10, s28  }
0xd: {  	s14 =	sadd.s32 s8, s14;
	s4 =	sadd.s32 s30, s2;
	s0 =	smax.u32 s29, $0x1  }
0xe: {  	s10 =	smul.u32 $0x271, s3;
	s16 =	sshrl.u32 s4, $0x3;
	[dreg:$0x5] =	wrdreg s0  }
.LBB2_13:
0xf: {  	s1 =	rddreg [dreg:$0x4]  }
0x10: {  	s0 =	rddreg [dreg:$0x5];
	s1 =	sadd.s32 $0x1, s1  }
0x11: {  	p0 =	sne.s32 s1, s0  }
.Ltmp1:
0x12: {  	_ = 	snop;
	(pc) =	sbr.rel @!p0 .LBB2_14-.Ltmp1, $1  }
0x13: {  	_ =	sdelay $0x3  }
.LBB2_1:
.Ltmp2:
0x14: {  	(pc) =	sbr.rel .LBB2_2-.Ltmp2, $2  }
0x15: {  	_ =	sdelay $0x2  }
0x16: {  	[dreg:$0x4] =	wrdreg s1;
	s25 =	simm.s32 $0x0  }
.LBB2_12:
0x17: {  	_ = 	snop  }
0x18: {  	s25 =	sadd.s32 $0x1, s25;
	s0 =	sadd.s32 s10, s26  }
0x19: {  	p0 =	sne.s32 s25, $0x6;
	s0 =	sshll.u32 s0, $0x4  }
.Ltmp3:
0x1a: {  	[bflag:$0x0] =	sbarrier.arrive $0xFFFF;
	s0 =	sadd.s32 s9, s0;
	(pc) =	sbr.rel @!p0 .LBB2_13-.Ltmp3, $4  }
0x1b: {  	[hbm:s0], [sflag:s11] =	dma.local [spmem:s16], $0x2710  }
0x1c: {  	_ =	swait.ge [sflag:s17], $0x2710  }
0x1d: {  	[sflag:s17] =	ssyncset.done $0x0  }
0x1e: {  	[sflag:s17] =	ssyncadd.s32 $0xFFFFD8F0  }
.LBB2_2:
0x1f: {  	s0 =	rddreg [dreg:$0x1]  }
0x20: {  	[spmem:s16], [sflag:s11] =	dma.local [hbm:s0], $0x2710  }
0x21: {  	_ =	swait.ge [sflag:s17], $0x2710  }
0x22: {  	[sflag:s17] =	ssyncset.done $0x0  }
0x23: {  	[sflag:s17] =	ssyncadd.s32 $0xFFFFD8F0  }
0x24: {  	s31 =	simm.s32 $0x0;
	[bflag:$0x0] =	sbarrier.arrive $0xFFFF  }
0x25: {  	[tilespmem:s18], [sflag:$0x3] =	stream.linear.gather [hbm4b:s13+s31], $0xFA0, $0x38;
	[tilespmem:$0x1C700] =	vst v63  }
0x26: {  	_ =	swait.ge [sflag:s17], $0xFA0  }
0x27: {  	[sflag:s17] =	ssyncset.done $0x0  }
0x28: {  	[sflag:s17] =	ssyncadd.s32 $0xFFFFF060  }
0x29: {  	[tilespmem:s19], [sflag:$0x3] =	stream.linear.gather [hbm4b:s14+s31], $0xFA0, $0x38;
	[tilespmem:$0x1C700] =	vst v63  }
0x2a: {  	_ =	swait.ge [sflag:s17], $0xFA0  }
0x2b: {  	[sflag:s17] =	ssyncset.done $0x0  }
0x2c: {  	s0 =	simm.s32 $0x0;
	[sflag:s17] =	ssyncadd.s32 $0xFFFFF060  }
0x2d: {  	s4 =	sadd.s32 s7, s25;
	v3 =	vld [tilespmem:s0+$0x18880]  }
0x2e: {  	s26 =	smul.u32 $0x2710, s4;
	v4 =	vld [tilespmem:s0+$0x18890]  }
0x2f: {  	v1 =	vld [tilespmem:s0+$0x188A0]  }
0x30: {  	s4 =	simm.s32 $0x140;
	v0 =	vmov s26;
	v2 =	vld [tilespmem:s0+$0x188B0]  }
.LBB2_3:
0x31: {  	p0 =	sne.s32 s4, $0x3D40;
	v5 =	vld [tilespmem:s0+$0x188C0]  }
0x32: {  	v3 =	vadd.s32 v0, v3  }
.Ltmp4:
0x33: {  	s15 =	sshra.s32 s4, $0x2;
	[tilespmem:s0+$0x18880] =	vst v3;
	v4 =	vadd.s32 v0, v4;
	(pc) =	sbr.rel @p0 .LBB2_3-.Ltmp4, $4  }
0x34: {  	v3 =	vld [tilespmem:s15+$0x18880];
	[tilespmem:s0+$0x18890] =	vst v4;
	v1 =	vadd.s32 v0, v1  }
0x35: {  	v4 =	vld [tilespmem:s15+$0x18890];
	[tilespmem:s0+$0x188A0] =	vst v1;
	v2 =	vadd.s32 v0, v2  }
0x36: {  	v1 =	vld [tilespmem:s15+$0x188A0];
	[tilespmem:s0+$0x188B0] =	vst v2;
	v5 =	vadd.s32 v0, v5  }
0x37: {  	s4 =	sadd.s32 $0x140, s4;
	v2 =	vld [tilespmem:s15+$0x188B0];
	[tilespmem:s0+$0x188C0] =	vst v5;
	s0 =	smov.u32 s15  }
0x38: {  	v5 =	vld [tilespmem:s0+$0x188C0]  }
0x39: {  	v3 =	vadd.s32 v0, v3  }
0x3a: {  	[tilespmem:s0+$0x18880] =	vst v3;
	v3 =	vadd.s32 v0, v4  }
.Ltmp5:
0x3b: {  	[tilespmem:s0+$0x18890] =	vst v3;
	v1 =	vadd.s32 v0, v1;
	(pc) =	sbr.rel .LBB2_5-.Ltmp5, $4  }
0x3c: {  	[tilespmem:s0+$0x188A0] =	vst v1;
	v1 =	vadd.s32 v0, v2  }
0x3d: {  	[tilespmem:s0+$0x188B0] =	vst v1;
	v1 =	vadd.s32 v0, v5  }
0x3e: {  	s28 =	simm.s32 $0x0;
	[tilespmem:s0+$0x188C0] =	vst v1  }
0x3f: {  	[tilespmem:s21], [sflag:$0x1] =	stream.indirect.gather [hbm4b:s5+s20], $0x80, s18, s20, $0xb8;
	[tilespmem:$0x1C700] =	vst v63  }
.LBB2_8:
0x40: {  	_ =	sdelay $0x3  }
0x41: {  	s1 =	sshra.s32 s4, $0x2;
	[tilespmem:v1+s0+$0x20 ss:$0x1] =	vst.idx.msk $0xffff, v2  }
0x42: {  	v2 =	vld.idx.msk [tilespmem:v1+s1+$0xFFFFFFE0 ss:$0x1], $0xffff;
	_ =	sdelay $0x4  }
0x43: {  	v2 =	vadd.s32 v0, v2  }
0x44: {  	[tilespmem:v1+s1+$0xFFFFFFE0 ss:$0x1] =	vst.idx.msk $0xffff, v2  }
0x45: {  	v2 =	vld.idx.msk [tilespmem:v1+s1+$0xFFFFFFF0 ss:$0x1], $0xffff;
	_ =	sdelay $0x4  }
0x46: {  	v2 =	vadd.s32 v0, v2  }
0x47: {  	[tilespmem:v1+s1+$0xFFFFFFF0 ss:$0x1] =	vst.idx.msk $0xffff, v2  }
0x48: {  	v2 =	vld.idx.msk [tilespmem:v1+s1+$0x0 ss:$0x1], $0xffff;
	_ =	sdelay $0x4  }
0x49: {  	v2 =	vadd.s32 v0, v2  }
0x4a: {  	[tilespmem:v1+s1+$0x0 ss:$0x1] =	vst.idx.msk $0xffff, v2  }
0x4b: {  	v2 =	vld.idx.msk [tilespmem:v1+s1+$0x10 ss:$0x1], $0xffff;
	_ =	sdelay $0x4  }
0x4c: {  	v2 =	vadd.s32 v0, v2  }
0x4d: {  	[tilespmem:v1+s1+$0x10 ss:$0x1] =	vst.idx.msk $0xffff, v2  }
0x4e: {  	v2 =	vld.idx.msk [tilespmem:v1+s1+$0x20 ss:$0x1], $0xffff;
	_ =	sdelay $0x4  }
0x4f: {  	v2 =	vadd.s32 v0, v2  }
0x50: {  	[tilespmem:v1+s1+$0x20 ss:$0x1] =	vst.idx.msk $0xffff, v2  }
.LBB2_10:
0x51: {  	s0 =	smulhi.u32 $0x51EB851F, s30;
	_ =	sdelay $0x1  }
0x52: {  	s1 =	sand.u32 $0xFE, s31;
	s0 =	sshrl.u32 s0, $0x4  }
0x53: {  	s1 =	smul.u32 $0x140, s1;
	s0 =	sand.u32 $0x1, s0  }
0x54: {  	p0 =	seq.s32 s0, $0x1;
	s0 =	simm.s32 $0xFA0  }
0x55: {  	s1 =	sshrl.u32 s1, $0x2;
	s0 =	simm.s32 @!p0 $0x0  }
0x56: {  	s0 =	sadd.s32 s1, s0  }
0x57: {  	s0 =	sadd.s32 $0x18880, s0  }
0x58: {  	[tilespmem:s21], [sflag:$0x1] =	stream.indirect.gather [hbm4b:s5+s20], $0x80, s0, s20, $0xb8;
	[tilespmem:$0x1C700] =	vst v63  }
.LBB2_11:
0x59: {  	_ =	swait.ge [sflag:s24], $0x2800;
	s28 =	sadd.s32 $0x1, s28  }
0x5a: {  	[sflag:s24] =	ssyncset.done $0x0;
	p0 =	sne.s32 s28, $0x7D  }
.Ltmp6:
0x5b: {  	s0 =	sadd.s32 $0x1A7C0, s29;
	[sflag:s24] =	ssyncadd.s32 $0xFFFFD800;
	(pc) =	sbr.rel @!p0 .LBB2_12-.Ltmp6, $4  }
0x5c: {  	[spmem:s2] =	stream.indirect.scatter.add.f32 [tilespmem:s22], [sflag:$0x3], $0x80, s0, s20, $0xb8;
	[tilespmem:$0x1C700] =	vst v63  }
0x5d: {  	_ =	swait.ge [sflag:s17], $0x2800  }
0x5e: {  	[sflag:s17] =	ssyncset.done $0x0  }
0x5f: {  	[sflag:s17] =	ssyncadd.s32 $0xFFFFD800  }
.LBB2_5:
0x60: {  	s0 =	sshllo.u32 s28, $0x1  }
0x61: {  	s4 =	sand.u32 $0xFF, s0  }
0x62: {  	s4 =	smul.u32 $0x29, s4;
	_ =	sdelay $0x1  }
0x63: {  	s15 =	smul.u32 $0x29, s28;
	s4 =	sshrl.u32 s4, $0xB  }
0x64: {  	s4 =	smul.u32 $0x32, s4;
	_ =	sdelay $0x1  }
0x65: {  	s15 =	sshrl.u32 s15, $0xA;
	s0 =	ssub.s32 s0, s4  }
0x66: {  	s3 =	smul.u32 $0x52, s28;
	s1 =	sand.u32 $0x1, s15;
	s0 =	sand.u32 $0xFF, s0  }
0x67: {  	p0 =	seq.s32 s1, $0x1;
	s4 =	simm.s32 $0xFA0;
	s0 =	smul.u32 $0x50, s0  }
0x68: {  	s15 =	sshrl.u32 s3, $0xB;
	s4 =	simm.s32 @!p0 $0x0  }
0x69: {  	s1 =	sand.u32 $0x1F, s15;
	s29 =	sadd.s32 s4, s0  }
0x6a: {  	s3 =	sshll.u32 s28, $0x1;
	s0 =	smul.u32 $0x32, s1;
	s30 =	sadd.s32 $0x18880, s29  }
0x6b: {  	[tilespmem:s22], [sflag:$0x2] =	stream.indirect.gather [hbm4b:s5+s20], $0x80, s30, s20, $0xb8;
	[tilespmem:$0x1C700] =	vst v63  }
0x6c: {  	s0 =	ssub.s32 s3, s0  }
0x6d: {  	s30 =	sadd.s32 $0x2, s3;
	s0 =	sand.u32 $0xFE, s0  }
0x6e: {  	s15 =	sand.u32 $0xFE, s30;
	s0 =	smul.u32 $0x140, s0  }
0x6f: {  	s15 =	smul.u32 $0x29, s15  }
0x70: {  	_ =	swait.ge [sflag:s23], $0x2800;
	s0 =	sshrl.u32 s0, $0x2  }
0x71: {  	[sflag:s23] =	ssyncset.done $0x0;
	s15 =	sshrl.u32 s15, $0xB;
	s0 =	sadd.s32 s0, s4  }
0x72: {  	[sflag:s23] =	ssyncadd.s32 $0xFFFFD800;
	s4 =	smul.u32 $0x32, s15;
	s0 =	sadd.s32 $0x1A7C0, s0  }
0x73: {  	[spmem:s2] =	stream.indirect.scatter.add.f32 [tilespmem:s21], [sflag:$0x3], $0x80, s0, s20, $0xb8;
	[tilespmem:$0x1C700] =	vst v63  }
0x74: {  	p0 =	seq.s32 s28, $0x7C;
	s31 =	ssub.s32 s30, s4  }
0x75: {  	s0 =	sand.u32 @!p0 $0xFF, s31  }
0x76: {  	p1 =	sne.s32 @!p0 s0, $0x0  }
0x77: {  	p1 =	por p0, p1  }
.Ltmp7:
0x78: {  	_ = 	snop;
	(pc) =	sbr.rel @p1 .LBB2_9-.Ltmp7, $4  }
0x79: {  	_ = 	snop  }
0x7a: {  	_ =	swait.ge [sflag:s17], $0x2800  }
0x7b: {  	[sflag:s17] =	ssyncset.done $0x0  }
0x7c: {  	[sflag:s17] =	ssyncadd.s32 $0xFFFFD800  }
0x7d: {  	s0 =	sand.u32 $0xFF, s30  }
0x7e: {  	s0 =	smul.u32 $0x29, s0;
	_ =	sdelay $0x1  }
0x7f: {  	s0 =	sshrl.u32 s0, $0xB  }
0x80: {  	s4 =	smul.u32 $0x32, s0;
	_ =	sdelay $0x1  }
0x81: {  	s4 =	sand.u32 $0xFE, s4  }
0x82: {  	s0 =	sand.u32 $0x1, s0;
	s4 =	sadd.s32 s4, s12  }
0x83: {  	p0 =	seq.s32 s0, $0x1;
	s0 =	simm.s32 $0xFA0;
	s4 =	smul.u32 $0xA, s4  }
0x84: {  	s0 =	simm.s32 @!p0 $0x0  }
0x85: {  	s1 =	simm.s32 $0x0;
	s15 =	sadd.s32 $0x18880, s0;
	s3 =	sadd.s32 s6, s4  }
0x86: {  	[tilespmem:s15], [sflag:$0x3] =	stream.linear.gather [hbm4b:s3+s1], $0xFA0, $0x38;
	[tilespmem:$0x1C700] =	vst v63  }
0x87: {  	_ =	swait.ge [sflag:s17], $0xFA0  }
0x88: {  	s15 =	sadd.s32 $0x188A0, s0;
	[sflag:s17] =	ssyncset.done $0x0  }
0x89: {  	s4 =	sadd.s32 s8, s4;
	s0 =	sadd.s32 $0x1A7C0, s0;
	v1 =	vmov s15;
	[sflag:s17] =	ssyncadd.s32 $0xFFFFF060  }
0x8a: {  	[tilespmem:s0], [sflag:$0x3] =	stream.linear.gather [hbm4b:s4+s1], $0xFA0, $0x38;
	[tilespmem:$0x1C700] =	vst v63  }
0x8b: {  	_ =	swait.ge [sflag:s17], $0xFA0  }
0x8c: {  	[sflag:s17] =	ssyncset.done $0x0  }
0x8d: {  	s0 =	simm.s32 $0x0;
	[sflag:s17] =	ssyncadd.s32 $0xFFFFF060  }
0x8e: {  	v2 =	vld.idx.msk [tilespmem:v1+s0+$0xFFFFFFE0 ss:$0x1], $0xffff;
	_ =	sdelay $0x4  }
0x8f: {  	v2 =	vadd.s32 v0, v2  }
0x90: {  	[tilespmem:v1+s0+$0xFFFFFFE0 ss:$0x1] =	vst.idx.msk $0xffff, v2  }
0x91: {  	v2 =	vld.idx.msk [tilespmem:v1+s0+$0xFFFFFFF0 ss:$0x1], $0xffff;
	_ =	sdelay $0x4  }
0x92: {  	v2 =	vadd.s32 v0, v2  }
0x93: {  	[tilespmem:v1+s0+$0xFFFFFFF0 ss:$0x1] =	vst.idx.msk $0xffff, v2  }
0x94: {  	v2 =	vld.idx.msk [tilespmem:v1+s0+$0x0 ss:$0x1], $0xffff;
	_ =	sdelay $0x4  }
0x95: {  	v2 =	vadd.s32 v0, v2  }
0x96: {  	[tilespmem:v1+s0+$0x0 ss:$0x1] =	vst.idx.msk $0xffff, v2  }
0x97: {  	v2 =	vld.idx.msk [tilespmem:v1+s0+$0x10 ss:$0x1], $0xffff;
	_ =	sdelay $0x4  }
0x98: {  	v2 =	vadd.s32 v0, v2  }
0x99: {  	[tilespmem:v1+s0+$0x10 ss:$0x1] =	vst.idx.msk $0xffff, v2  }
0x9a: {  	v2 =	vld.idx.msk [tilespmem:v1+s0+$0x20 ss:$0x1], $0xffff;
	_ =	sdelay $0x4  }
0x9b: {  	s15 =	simm.s32 $0x280;
	s4 =	simm.s32 $0x140;
	v2 =	vadd.s32 v0, v2  }
.LBB2_7:
0x9c: {  	p0 =	seq.s32 s15, $0x3D40  }
0x9d: {  	[tilespmem:v1+s0+$0x20 ss:$0x1] =	vst.idx.msk $0xffff, v2;
	s0 =	sshra.s32 s4, $0x2;
	s4 =	smov.u32 s15;
	s15 =	sadd.s32 $0x140, s15  }
0x9e: {  	v2 =	vld.idx.msk [tilespmem:v1+s0+$0xFFFFFFE0 ss:$0x1], $0xffff;
	_ =	sdelay $0x5  }
0x9f: {  	v2 =	vadd.s32 v0, v2  }
0xa0: {  	[tilespmem:v1+s0+$0xFFFFFFE0 ss:$0x1] =	vst.idx.msk $0xffff, v2  }
0xa1: {  	v2 =	vld.idx.msk [tilespmem:v1+s0+$0xFFFFFFF0 ss:$0x1], $0xffff;
	_ =	sdelay $0x5  }
0xa2: {  	v2 =	vadd.s32 v0, v2  }
0xa3: {  	[tilespmem:v1+s0+$0xFFFFFFF0 ss:$0x1] =	vst.idx.msk $0xffff, v2  }
0xa4: {  	v2 =	vld.idx.msk [tilespmem:v1+s0+$0x0 ss:$0x1], $0xffff;
	_ =	sdelay $0x5  }
0xa5: {  	v2 =	vadd.s32 v0, v2  }
0xa6: {  	[tilespmem:v1+s0+$0x0 ss:$0x1] =	vst.idx.msk $0xffff, v2  }
0xa7: {  	v2 =	vld.idx.msk [tilespmem:v1+s0+$0x10 ss:$0x1], $0xffff;
	_ =	sdelay $0x5  }
0xa8: {  	v2 =	vadd.s32 v0, v2  }
0xa9: {  	[tilespmem:v1+s0+$0x10 ss:$0x1] =	vst.idx.msk $0xffff, v2  }
0xaa: {  	v2 =	vld.idx.msk [tilespmem:v1+s0+$0x20 ss:$0x1], $0xffff;
	_ =	sdelay $0x1  }
.Ltmp8:
0xab: {  	(pc) =	sbr.rel @!p0 .LBB2_7-.Ltmp8, $2  }
0xac: {  	_ =	sdelay $0x2  }
0xad: {  	v2 =	vadd.s32 v0, v2  }
.Ltmp9:
0xae: {  	_ = 	snop;
	(pc) =	sbr.rel .LBB2_8-.Ltmp9, $1  }
0xaf: {  	_ =	sdelay $0x3  }
.LBB2_9:
.Ltmp10:
0xb0: {  	(pc) =	sbr.rel @p0 .LBB2_11-.Ltmp10, $4  }
.Ltmp11:
0xb1: {  	(pc) =	sbr.rel @!p0 .LBB2_10-.Ltmp11, $4  }
0xb2: {  	_ = 	snop  }
0xb3: {  	_ = 	snop  }
0xb4: {  	_ = 	snop  }
0xb5: {  	_ = 	snop  }
.LBB2_14:
0xb6: {  	_ =	sfence.sel $0x180000  }
0xb7: {  	[bflag:$0x0] =	sbarrier.arrive $0xFFFF  }
0xb8: {  	_ =	strace $0x9000004A  }
0xb9: {  	s0 =	stileid.u32;
	[bflag:$0x2] =	sbarrier.arrive $0xFFFF  }
0xba: {  	p0 =	sne.s32 s0, $0x0;
	s0 =	rddreg [dreg:$0x3]  }
0xbb: {  	s0 =	sadd.s32 @!p0 $0x100000, s0  }
0xbc: {  	[sflag:s0] =	ssyncadd.tile.s32 @!p0 $0x1;
	_ =	shalt  }
.Lfunc_end2:
_tile_overlayer_lowered:
.L_overlay_start_2:
0xbd: {  	(tag) =	ssettag $0x2  }
0xbe: {  	s0 =	rddreg [dreg:$0x0];
	s2 =	stileid.u32  }
0xbf: {  	s1 =	rddreg [dreg:$0x1];
	p0 =	sne.s32 s2, $0x0  }
0xc0: {  	s3 =	rddreg [dreg:$0x2];
	[bflag:$0x3] =	sbarrier.arrive $0xFFFF;
	s2 =	simm.s32 @!p0 $0x1C03  }
0xc1: {  	[timem:s3], [sflag:s2] =	dma.local @!p0 [hbm:s0], s1  }
0xc2: {  	s0 =	simm.s32 @!p0 $0x3  }
0xc3: {  	_ =	swait.ge @!p0 [sflag:s0], s1  }
0xc4: {  	s1 =	ssub.s32 @!p0 $0x0, s1;
	[sflag:s0] =	ssyncset.done @!p0 $0x0  }
0xc5: {  	[sflag:s0] =	ssyncadd.s32 @!p0 s1  }
0xc6: {  	[bflag:$0x3] =	sbarrier.arrive $0xFFFF  }
0xc7: {  	_ =	shalt  }

</sc_bundles>
